<compile_context>
chip_gen: v7x
topology: tpu7x:2x2x1
jax: 0.10.2.dev20260603
libtpu: 0.0.44.dev20260713+nightly
codegen_flags: <defaults>
</compile_context>

<pallas_src>
import functools

import numpy as np
import jax
import jax.numpy as jnp
from jax import lax
from jax.experimental import pallas as pl
from jax.experimental.pallas import tpu as pltpu
from jax.experimental.pallas import tpu_sc as plsc

D = 512
NG = (D + 2) // 3
P = NG * 3
PP = 528
Q = NG * 4
QQ = 688
K = 64
NC, NS, L = 2, 16, 16
NW = NC * NS
R = 16


def _gp_table() -> np.ndarray:
    masks = [0b000, 0b001, 0b010, 0b100, 0b011, 0b101, 0b110, 0b111]
    idx = {m: i for i, m in enumerate(masks)}
    T = np.zeros((8, 8, 8), dtype=np.float32)
    for i, a in enumerate(masks):
        for j, b in enumerate(masks):
            t = a >> 1
            swaps = 0
            while t:
                swaps += bin(t & b).count('1')
                t >>= 1
            T[i, j, idx[a ^ b]] = -1.0 if (swaps & 1) else 1.0
    return T


_T = _gp_table()
_REV = np.array([1, 1, 1, 1, -1, -1, -1, -1], dtype=np.float32)
_KMAP = np.array([1, 2, 3, 7])

_J = np.arange(P)
_JG = _J // 3
_JR = _J % 3
_I0 = (3 * _JG).astype(np.int32)
_K4G = (np.arange(Q) // 4)
_K4M = (np.arange(Q) % 4)


def _padp(v):
    return jnp.pad(v, (0, PP - P))


def _padq(v):
    return jnp.pad(v, (0, QQ - Q))


def _rbf_host(v):
    return v.astype(jnp.bfloat16).astype(jnp.float32)


def _coef_tables(rotors):
    rot = rotors.astype(jnp.float32)
    rr = rot * _REV
    T = jnp.asarray(_T)
    hi = lax.Precision.HIGHEST
    w1 = jnp.einsum('gi,ijk->gjk', rot, T, precision=hi)
    w2 = jnp.einsum('gj,ijk->gik', rr, T, precision=hi)

    km = _KMAP[_K4M]
    c1a = _rbf_host(w1[_K4G, 1, km])
    c1b = _rbf_host(w1[_K4G, 2, km])
    c1c = jnp.where(_K4G == NG - 1, 0.0, _rbf_host(w1[_K4G, 3, km]))

    w2a = _rbf_host(w2[_JG, _KMAP[0], _JR + 1])
    w2b = _rbf_host(w2[_JG, _KMAP[1], _JR + 1])
    w2c = _rbf_host(w2[_JG, _KMAP[2], _JR + 1])
    w2d = _rbf_host(w2[_JG, _KMAP[3], _JR + 1])

    m2 = jnp.einsum('gi,cj,ijk,gl,klm->gcm', rr, jnp.asarray(_E), T, rot, T,
                    precision=hi)
    bw = jnp.transpose(m2[:, :, 1:4], (0, 2, 1))
    at = bw[_JG, _JR, 0]
    bt = bw[_JG, _JR, 1]
    ct = bw[_JG, _JR, 2]

    return jnp.concatenate([
        _padq(c1a), _padq(c1b), _padq(c1c),
        _padp(w2a), _padp(w2b), _padp(w2c), _padp(w2d),
        _padp(at), _padp(bt), _padp(ct),
    ])


_E = np.zeros((3, 8), dtype=np.float32)
for _c in range(3):
    _E[_c, _c + 1] = 1.0

_ITAB = np.concatenate([
    np.pad(_I0, (0, PP - P)),
    np.pad((3 * _K4G).astype(np.int32), (0, QQ - Q)),
    np.pad((4 * _JG).astype(np.int32), (0, PP - P)),
]).astype(np.int32)

_F32 = jnp.float32
_I32 = jnp.int32

_OFF_C1 = (0, QQ, 2 * QQ)
_OFF_W2 = tuple(3 * QQ + i * PP for i in range(4))
_OFF_BW = tuple(3 * QQ + 4 * PP + i * PP for i in range(3))
_OFF_I = (0, PP, PP + QQ)


def _sc_body(n, xf, coefs, itab, mids, cents, xhat_f, idx_f, norms_o,
             c1a_r, c1b_r, c1c_r, w2a_r, w2b_r, w2c_r, w2d_r,
             at_r, bt_r, ct_r, i0_r, j0_r, k0_r,
             mids_r, cents_r, xc, xh, ub, t1b, ic, qb, nb):
    rows_per_w = n // NW
    nch = rows_per_w // R
    wid = lax.axis_index("s") * NC + lax.axis_index("c")
    row0 = wid * rows_per_w

    pltpu.sync_copy(coefs.at[pl.ds(_OFF_C1[0], QQ)], c1a_r)
    pltpu.sync_copy(coefs.at[pl.ds(_OFF_C1[1], QQ)], c1b_r)
    pltpu.sync_copy(coefs.at[pl.ds(_OFF_C1[2], QQ)], c1c_r)
    pltpu.sync_copy(coefs.at[pl.ds(_OFF_W2[0], PP)], w2a_r)
    pltpu.sync_copy(coefs.at[pl.ds(_OFF_W2[1], PP)], w2b_r)
    pltpu.sync_copy(coefs.at[pl.ds(_OFF_W2[2], PP)], w2c_r)
    pltpu.sync_copy(coefs.at[pl.ds(_OFF_W2[3], PP)], w2d_r)
    pltpu.sync_copy(coefs.at[pl.ds(_OFF_BW[0], PP)], at_r)
    pltpu.sync_copy(coefs.at[pl.ds(_OFF_BW[1], PP)], bt_r)
    pltpu.sync_copy(coefs.at[pl.ds(_OFF_BW[2], PP)], ct_r)
    pltpu.sync_copy(itab.at[pl.ds(_OFF_I[0], PP)], i0_r)
    pltpu.sync_copy(itab.at[pl.ds(_OFF_I[1], QQ)], j0_r)
    pltpu.sync_copy(itab.at[pl.ds(_OFF_I[2], PP)], k0_r)
    pltpu.sync_copy(mids, mids_r)
    pltpu.sync_copy(cents, cents_r)

    lanes = lax.iota(_I32, L)
    lane0 = lanes == 0
    m31v = plsc.load_gather(mids_r, [jnp.full((L,), 31, _I32)])
    onev = jnp.full((L,), 1, _I32)
    twov = jnp.full((L,), 2, _I32)
    threev = jnp.full((L,), 3, _I32)
    magic = jnp.full((L,), 0x5F3759DF, _I32)
    half1 = jnp.full((L,), 0x7FFF, _I32)
    maskhi = jnp.full((L,), -0x10000, _I32)
    stepv = {s: jnp.full((L,), s, _I32) for s in (32, 16, 8, 4, 2, 1)}
    probv = {s: jnp.full((L,), s - 1, _I32) for s in (16, 8, 4, 2, 1)}
    zi = jnp.zeros((L,), _I32)
    zf = jnp.zeros((L,), _F32)

    def rbf(v):
        iv = plsc.bitcast(v, _I32)
        r = iv + half1 + (lax.shift_right_logical(iv, jnp.full((L,), 16, _I32)) & onev)
        return plsc.bitcast(r & maskhi, _F32)

    ub[pl.ds(D, L)] = zf

    def chunk_body(ch, carry):
        base = row0 + ch * R
        pltpu.sync_copy(xf.at[pl.ds(base * D, R * D)], xc)

        def row_body(r, carry2):
            rb = jnp.full((L,), r * D, _I32)

            def acc_body(k2, acc):
                xv = xc[pl.ds(r * D + k2 * L, L)]
                return acc + xv * xv

            acc = lax.fori_loop(0, D // L, acc_body, jnp.zeros((L,), _F32))
            ssv = jnp.maximum(jnp.full((L,), jnp.sum(acc)), _F32(1e-16))
            iv = magic - lax.shift_right_logical(plsc.bitcast(ssv, _I32), onev)
            yv = plsc.bitcast(iv, _F32)
            nhalf = ssv * _F32(-0.5)
            for _ in range(3):
                yv = yv * (_F32(1.5) + nhalf * yv * yv)
            normv = ssv * yv
            plsc.store_scatter(nb, [jnp.full((L,), r, _I32)], normv, mask=lane0)

            def upass(j, carry3):
                off = j * L
                ub[pl.ds(off, L)] = rbf(xc[pl.ds(r * D + off, L)] / normv)
                return carry3

            lax.fori_loop(0, D // L, upass, 0)

            def stage1(j, carry3):
                off = j * L
                j0v = j0_r[pl.ds(off, L)]
                xa = plsc.load_gather(ub, [j0v])
                xb = plsc.load_gather(ub, [j0v + onev])
                xcv = plsc.load_gather(ub, [j0v + twov])
                av = c1a_r[pl.ds(off, L)]
                bv = c1b_r[pl.ds(off, L)]
                cv = c1c_r[pl.ds(off, L)]
                t1b[pl.ds(off, L)] = rbf(xa * av + xb * bv + xcv * cv)
                return carry3

            lax.fori_loop(0, QQ // L, stage1, 0)

            def stage2(j, carry3):
                off = j * L
                k0v = k0_r[pl.ds(off, L)]
                ta = plsc.load_gather(t1b, [k0v])
                tb = plsc.load_gather(t1b, [k0v + onev])
                tc = plsc.load_gather(t1b, [k0v + twov])
                td = plsc.load_gather(t1b, [k0v + threev])
                wa = w2a_r[pl.ds(off, L)]
                wb = w2b_r[pl.ds(off, L)]
                wc = w2c_r[pl.ds(off, L)]
                wd = w2d_r[pl.ds(off, L)]
                gv = ta * wa + tb * wb + tc * wc + td * wd
                cc = jnp.where(m31v < gv, stepv[32], zi)
                for s in (16, 8, 4, 2, 1):
                    pv = plsc.load_gather(mids_r, [cc + probv[s]])
                    cc = cc + jnp.where(pv < gv, stepv[s], zi)
                ic[pl.ds(r * PP + off, L)] = cc
                qb[pl.ds(off, L)] = plsc.load_gather(cents_r, [cc])
                return carry3

            lax.fori_loop(0, PP // L, stage2, 0)

            def bwd(j, carry3):
                off = j * L
                i0v = i0_r[pl.ds(off, L)]
                qa = plsc.load_gather(qb, [i0v])
                qbv = plsc.load_gather(qb, [i0v + onev])
                qcv = plsc.load_gather(qb, [i0v + twov])
                atv = at_r[pl.ds(off, L)]
                btv = bt_r[pl.ds(off, L)]
                ctv = ct_r[pl.ds(off, L)]
                xh[pl.ds(r * D + off, L)] = (qa * atv + qbv * btv + qcv * ctv) * normv
                return carry3

            lax.fori_loop(0, D // L, bwd, 0)
            return carry2

        lax.fori_loop(0, R, row_body, 0)
        pltpu.sync_copy(xh, xhat_f.at[pl.ds(base * D, R * D)])
        pltpu.sync_copy(ic, idx_f.at[pl.ds(base * PP, R * PP)])
        pltpu.sync_copy(nb, norms_o.at[pl.ds(base, R)])
        return carry

    lax.fori_loop(0, nch, chunk_body, 0)


def kernel(x, centroids_vector, rotors):
    n = x.shape[0]
    cents = centroids_vector.astype(jnp.float32)
    mids64 = jnp.concatenate(
        [(cents[:-1] + cents[1:]) * _F32(0.5), jnp.full((1,), 3e38, _F32)])
    coefs = _coef_tables(rotors)
    itab = jnp.asarray(_ITAB)
    xf = x.astype(jnp.float32).reshape(-1)

    mesh = plsc.VectorSubcoreMesh(
        core_axis_name="c", subcore_axis_name="s", num_cores=NC)
    call = functools.partial(
        pl.kernel,
        out_type=[
            jax.ShapeDtypeStruct((n * D,), jnp.float32),
            jax.ShapeDtypeStruct((n * PP,), jnp.int32),
            jax.ShapeDtypeStruct((n,), jnp.float32),
        ],
        mesh=mesh,
        compiler_params=pltpu.CompilerParams(needs_layout_passes=False),
        scratch_types=[
            pltpu.VMEM((QQ,), jnp.float32),
            pltpu.VMEM((QQ,), jnp.float32),
            pltpu.VMEM((QQ,), jnp.float32),
            pltpu.VMEM((PP,), jnp.float32),
            pltpu.VMEM((PP,), jnp.float32),
            pltpu.VMEM((PP,), jnp.float32),
            pltpu.VMEM((PP,), jnp.float32),
            pltpu.VMEM((PP,), jnp.float32),
            pltpu.VMEM((PP,), jnp.float32),
            pltpu.VMEM((PP,), jnp.float32),
            pltpu.VMEM((PP,), jnp.int32),
            pltpu.VMEM((QQ,), jnp.int32),
            pltpu.VMEM((PP,), jnp.int32),
            pltpu.VMEM((K,), jnp.float32),
            pltpu.VMEM((K,), jnp.float32),
            pltpu.VMEM((R * D,), jnp.float32),
            pltpu.VMEM((R * D,), jnp.float32),
            pltpu.VMEM((PP,), jnp.float32),
            pltpu.VMEM((QQ,), jnp.float32),
            pltpu.VMEM((R * PP,), jnp.int32),
            pltpu.VMEM((PP,), jnp.float32),
            pltpu.VMEM((R,), jnp.float32),
        ],
    )(functools.partial(_sc_body, n))

    xhat_f, idx_f, norms = call(xf, coefs, itab, mids64, cents)
    x_hat = xhat_f.reshape(n, D)
    indices = idx_f.reshape(n, PP)[:, :P].reshape(n, NG, 3)
    return (x_hat, indices, norms)

# --- scband reference (transcript-rebuilt; emitter-appended) ---
"""Pipeline reference for scband-rotor-quant-mse-38190849196138 (READ-ONLY COPY).

The authoritative reference and input builder live on the scoring server;
editing this copy changes nothing except your own understanding.
"""

import jax, jax.numpy as jnp
import numpy as np
from jax.scipy.special import erfinv

# RotorQuantMSE reference: Cl(3,0) geometric algebra, MV_DIM = 8
# basis order: [1, e1, e2, e3, e12, e13, e23, e123]
D = 512
BITS = 6
MV_DIM = 8
N_GROUPS = (D + 2) // 3  # 171
K = 2 ** BITS  # 64

def _gp_table():
    # blade bitmasks in basis order (e1->bit0, e2->bit1, e3->bit2), Euclidean metric
    masks = [0b000, 0b001, 0b010, 0b100, 0b011, 0b101, 0b110, 0b111]
    idx = {m: i for i, m in enumerate(masks)}
    T = np.zeros((8, 8, 8), dtype=np.float32)
    for i, a in enumerate(masks):
        for j, b in enumerate(masks):
            t = a >> 1
            swaps = 0
            while t:
                swaps += bin(t & b).count('1')
                t >>= 1
            sign = -1.0 if (swaps & 1) else 1.0
            T[i, j, idx[a ^ b]] = sign
    return T

_T = jnp.asarray(_gp_table())
_REV = jnp.asarray(np.array([1, 1, 1, 1, -1, -1, -1, -1], dtype=np.float32))

def _gp(a, b):
    return jnp.einsum('...i,...j,ijk->...k', a, b, _T)

def _reverse(mv):
    return mv * _REV

def setup_inputs(seed: int = 0) -> dict:
    key = jax.random.key(seed)
    kx, kr = jax.random.split(key)
    x = jax.random.normal(kx, (4096, D), dtype=jnp.float32)
    # random unit rotors: normalized even-grade multivectors (scalar + 3 bivectors)
    rot = jax.random.normal(kr, (N_GROUPS, 4), dtype=jnp.float32)
    rot = rot / jnp.linalg.norm(rot, axis=-1, keepdims=True)
    rotors = jnp.zeros((N_GROUPS, MV_DIM), dtype=jnp.float32).at[:, jnp.array([0, 4, 5, 6])].set(rot)
    # Lloyd-Max-style Gaussian quantile centroids, 2**bits levels
    p = (jnp.arange(K, dtype=jnp.float32) + 0.5) / K
    centroids = (jnp.sqrt(2.0) * erfinv(2.0 * p - 1.0)).astype(jnp.float32)
    return {'x': x, 'centroids_vector': centroids, 'rotors': rotors}

def reference(x, centroids_vector, rotors):
    n = x.shape[0]
    # quantize
    norms = jnp.clip(jnp.linalg.norm(x, axis=-1, keepdims=True), 1e-8, None)
    x_unit = x / norms
    pad = N_GROUPS * 3 - D
    xp = jnp.pad(x_unit, ((0, 0), (0, pad)))
    mv = jnp.zeros((n, N_GROUPS, MV_DIM), dtype=x.dtype).at[..., 1:4].set(xp.reshape(n, N_GROUPS, 3))
    mv_rot = _gp(_gp(rotors, mv), _reverse(rotors))
    grade = mv_rot[..., 1:4]
    diffs = jnp.abs(grade[..., None] - centroids_vector)
    indices = jnp.argmin(diffs, axis=-1)  # [n, N_GROUPS, 3]
    # dequantize
    values = centroids_vector[indices]
    mv_q = jnp.zeros((n, N_GROUPS, MV_DIM), dtype=x.dtype).at[..., 1:4].set(values)
    rr = _reverse(rotors)
    mv_recon = _gp(_gp(rr, mv_q), _reverse(rr))
    x_hat = mv_recon[..., 1:4].reshape(n, N_GROUPS * 3)[:, :D]
    x_hat = x_hat * norms
    return (x_hat, indices, norms[:, 0])

if __name__ == "__main__":
    import jax
    _d = setup_inputs()
    print(jax.jit(kernel)(*tuple(_d.values())))

</pallas_src>

<mosaic_0001>
#map = affine_map<(d0, d1) -> (0)>
module attributes {stable_mosaic.version = 14 : i64} {
  func.func @_sc_body(%arg0: i32, %arg1: i32, %arg2: memref<2097152xf32, #tpu.memory_space<hbm>>, %arg3: memref<5760xf32, #tpu.memory_space<hbm>>, %arg4: memref<1744xi32, #tpu.memory_space<hbm>>, %arg5: memref<64xf32, #tpu.memory_space<hbm>>, %arg6: memref<64xf32, #tpu.memory_space<hbm>>, %arg7: memref<2097152xf32, #tpu.memory_space<hbm>>, %arg8: memref<2162688xi32, #tpu.memory_space<hbm>>, %arg9: memref<4096xf32, #tpu.memory_space<hbm>>, %arg10: memref<688xf32, #tpu.memory_space<vmem>>, %arg11: memref<688xf32, #tpu.memory_space<vmem>>, %arg12: memref<688xf32, #tpu.memory_space<vmem>>, %arg13: memref<528xf32, #tpu.memory_space<vmem>>, %arg14: memref<528xf32, #tpu.memory_space<vmem>>, %arg15: memref<528xf32, #tpu.memory_space<vmem>>, %arg16: memref<528xf32, #tpu.memory_space<vmem>>, %arg17: memref<528xf32, #tpu.memory_space<vmem>>, %arg18: memref<528xf32, #tpu.memory_space<vmem>>, %arg19: memref<528xf32, #tpu.memory_space<vmem>>, %arg20: memref<528xi32, #tpu.memory_space<vmem>>, %arg21: memref<688xi32, #tpu.memory_space<vmem>>, %arg22: memref<528xi32, #tpu.memory_space<vmem>>, %arg23: memref<64xf32, #tpu.memory_space<vmem>>, %arg24: memref<64xf32, #tpu.memory_space<vmem>>, %arg25: memref<8192xf32, #tpu.memory_space<vmem>>, %arg26: memref<8192xf32, #tpu.memory_space<vmem>>, %arg27: memref<528xf32, #tpu.memory_space<vmem>>, %arg28: memref<688xf32, #tpu.memory_space<vmem>>, %arg29: memref<8448xi32, #tpu.memory_space<vmem>>, %arg30: memref<528xf32, #tpu.memory_space<vmem>>, %arg31: memref<16xf32, #tpu.memory_space<vmem>>) attributes {dimension_semantics = [#tpu.dimension_semantics<core_parallel>, #tpu.dimension_semantics<subcore_parallel>], iteration_bounds = array<i64: 2, 16>, scalar_prefetch = 0 : i64, scratch_operands = 22 : i64, tpu.core_type = #tpu.core_type<sc_vector_subcore>, window_params = [{transform_indices = #map}, {transform_indices = #map}, {transform_indices = #map}, {transform_indices = #map}, {transform_indices = #map}, {transform_indices = #map}, {transform_indices = #map}, {transform_indices = #map}]} {
    %mul3A = arith.constant 2 : i32
    %mul3A_0 = arith.muli %arg1, %mul3A : i32
    %add3A = arith.addi %mul3A_0, %arg0 : i32
    %mul3A_1 = arith.constant 128 : i32
    %mul3A_2 = arith.muli %add3A, %mul3A_1 : i32
    "tpu.region"() ({
      %run_scoped3A = tpu.sem_alloc : memref<!tpu.dma_semaphore, #tpu.memory_space<semaphore_mem>>
      %dma_start3A = arith.constant 0 : i32
      %dma_start3A_50 = tpu.memref_slice %arg3[%dma_start3A] : memref<5760xf32, #tpu.memory_space<hbm>> -> memref<688xf32, #tpu.memory_space<hbm>>
      %dma_start3A_51 = arith.constant 0 : i32
      %dma_start3A_52 = tpu.memref_slice %arg3[%dma_start3A_51] : memref<5760xf32, #tpu.memory_space<hbm>> -> memref<688xf32, #tpu.memory_space<hbm>>
      tpu.enqueue_dma source(%dma_start3A_52 : memref<688xf32, #tpu.memory_space<hbm>>) target(%arg10 : memref<688xf32, #tpu.memory_space<vmem>>) target_semaphore(%run_scoped3A : memref<!tpu.dma_semaphore, #tpu.memory_space<semaphore_mem>>)
      %dma_wait3A = arith.constant 0 : i32
      %dma_wait3A_53 = tpu.memref_slice %arg3[%dma_wait3A] : memref<5760xf32, #tpu.memory_space<hbm>> -> memref<688xf32, #tpu.memory_space<hbm>>
      %dma_wait3A_54 = arith.constant 0 : i32
      %dma_wait3A_55 = tpu.memref_slice %arg3[%dma_wait3A_54] : memref<5760xf32, #tpu.memory_space<hbm>> -> memref<688xf32, #tpu.memory_space<hbm>>
      tpu.wait_dma2 semaphore(%run_scoped3A : memref<!tpu.dma_semaphore, #tpu.memory_space<semaphore_mem>>) src(%dma_wait3A_55 : memref<688xf32, #tpu.memory_space<hbm>>) dst(%arg10 : memref<688xf32, #tpu.memory_space<vmem>>)
      tpu.yield
    }) : () -> ()
    "tpu.region"() ({
      %run_scoped3A = tpu.sem_alloc : memref<!tpu.dma_semaphore, #tpu.memory_space<semaphore_mem>>
      %dma_start3A = arith.constant 688 : i32
      %dma_start3A_50 = tpu.memref_slice %arg3[%dma_start3A] : memref<5760xf32, #tpu.memory_space<hbm>> -> memref<688xf32, #tpu.memory_space<hbm>>
      %dma_start3A_51 = arith.constant 688 : i32
      %dma_start3A_52 = tpu.memref_slice %arg3[%dma_start3A_51] : memref<5760xf32, #tpu.memory_space<hbm>> -> memref<688xf32, #tpu.memory_space<hbm>>
      tpu.enqueue_dma source(%dma_start3A_52 : memref<688xf32, #tpu.memory_space<hbm>>) target(%arg11 : memref<688xf32, #tpu.memory_space<vmem>>) target_semaphore(%run_scoped3A : memref<!tpu.dma_semaphore, #tpu.memory_space<semaphore_mem>>)
      %dma_wait3A = arith.constant 688 : i32
      %dma_wait3A_53 = tpu.memref_slice %arg3[%dma_wait3A] : memref<5760xf32, #tpu.memory_space<hbm>> -> memref<688xf32, #tpu.memory_space<hbm>>
      %dma_wait3A_54 = arith.constant 688 : i32
      %dma_wait3A_55 = tpu.memref_slice %arg3[%dma_wait3A_54] : memref<5760xf32, #tpu.memory_space<hbm>> -> memref<688xf32, #tpu.memory_space<hbm>>
      tpu.wait_dma2 semaphore(%run_scoped3A : memref<!tpu.dma_semaphore, #tpu.memory_space<semaphore_mem>>) src(%dma_wait3A_55 : memref<688xf32, #tpu.memory_space<hbm>>) dst(%arg11 : memref<688xf32, #tpu.memory_space<vmem>>)
      tpu.yield
    }) : () -> ()
    "tpu.region"() ({
      %run_scoped3A = tpu.sem_alloc : memref<!tpu.dma_semaphore, #tpu.memory_space<semaphore_mem>>
      %dma_start3A = arith.constant 1376 : i32
      %dma_start3A_50 = tpu.memref_slice %arg3[%dma_start3A] : memref<5760xf32, #tpu.memory_space<hbm>> -> memref<688xf32, #tpu.memory_space<hbm>>
      %dma_start3A_51 = arith.constant 1376 : i32
      %dma_start3A_52 = tpu.memref_slice %arg3[%dma_start3A_51] : memref<5760xf32, #tpu.memory_space<hbm>> -> memref<688xf32, #tpu.memory_space<hbm>>
      tpu.enqueue_dma source(%dma_start3A_52 : memref<688xf32, #tpu.memory_space<hbm>>) target(%arg12 : memref<688xf32, #tpu.memory_space<vmem>>) target_semaphore(%run_scoped3A : memref<!tpu.dma_semaphore, #tpu.memory_space<semaphore_mem>>)
      %dma_wait3A = arith.constant 1376 : i32
      %dma_wait3A_53 = tpu.memref_slice %arg3[%dma_wait3A] : memref<5760xf32, #tpu.memory_space<hbm>> -> memref<688xf32, #tpu.memory_space<hbm>>
      %dma_wait3A_54 = arith.constant 1376 : i32
      %dma_wait3A_55 = tpu.memref_slice %arg3[%dma_wait3A_54] : memref<5760xf32, #tpu.memory_space<hbm>> -> memref<688xf32, #tpu.memory_space<hbm>>
      tpu.wait_dma2 semaphore(%run_scoped3A : memref<!tpu.dma_semaphore, #tpu.memory_space<semaphore_mem>>) src(%dma_wait3A_55 : memref<688xf32, #tpu.memory_space<hbm>>) dst(%arg12 : memref<688xf32, #tpu.memory_space<vmem>>)
      tpu.yield
    }) : () -> ()
    "tpu.region"() ({
      %run_scoped3A = tpu.sem_alloc : memref<!tpu.dma_semaphore, #tpu.memory_space<semaphore_mem>>
      %dma_start3A = arith.constant 2064 : i32
      %dma_start3A_50 = tpu.memref_slice %arg3[%dma_start3A] : memref<5760xf32, #tpu.memory_space<hbm>> -> memref<528xf32, #tpu.memory_space<hbm>>
      %dma_start3A_51 = arith.constant 2064 : i32
      %dma_start3A_52 = tpu.memref_slice %arg3[%dma_start3A_51] : memref<5760xf32, #tpu.memory_space<hbm>> -> memref<528xf32, #tpu.memory_space<hbm>>
      tpu.enqueue_dma source(%dma_start3A_52 : memref<528xf32, #tpu.memory_space<hbm>>) target(%arg13 : memref<528xf32, #tpu.memory_space<vmem>>) target_semaphore(%run_scoped3A : memref<!tpu.dma_semaphore, #tpu.memory_space<semaphore_mem>>)
      %dma_wait3A = arith.constant 2064 : i32
      %dma_wait3A_53 = tpu.memref_slice %arg3[%dma_wait3A] : memref<5760xf32, #tpu.memory_space<hbm>> -> memref<528xf32, #tpu.memory_space<hbm>>
      %dma_wait3A_54 = arith.constant 2064 : i32
      %dma_wait3A_55 = tpu.memref_slice %arg3[%dma_wait3A_54] : memref<5760xf32, #tpu.memory_space<hbm>> -> memref<528xf32, #tpu.memory_space<hbm>>
      tpu.wait_dma2 semaphore(%run_scoped3A : memref<!tpu.dma_semaphore, #tpu.memory_space<semaphore_mem>>) src(%dma_wait3A_55 : memref<528xf32, #tpu.memory_space<hbm>>) dst(%arg13 : memref<528xf32, #tpu.memory_space<vmem>>)
      tpu.yield
    }) : () -> ()
    "tpu.region"() ({
      %run_scoped3A = tpu.sem_alloc : memref<!tpu.dma_semaphore, #tpu.memory_space<semaphore_mem>>
      %dma_start3A = arith.constant 2592 : i32
      %dma_start3A_50 = tpu.memref_slice %arg3[%dma_start3A] : memref<5760xf32, #tpu.memory_space<hbm>> -> memref<528xf32, #tpu.memory_space<hbm>>
      %dma_start3A_51 = arith.constant 2592 : i32
      %dma_start3A_52 = tpu.memref_slice %arg3[%dma_start3A_51] : memref<5760xf32, #tpu.memory_space<hbm>> -> memref<528xf32, #tpu.memory_space<hbm>>
      tpu.enqueue_dma source(%dma_start3A_52 : memref<528xf32, #tpu.memory_space<hbm>>) target(%arg14 : memref<528xf32, #tpu.memory_space<vmem>>) target_semaphore(%run_scoped3A : memref<!tpu.dma_semaphore, #tpu.memory_space<semaphore_mem>>)
      %dma_wait3A = arith.constant 2592 : i32
      %dma_wait3A_53 = tpu.memref_slice %arg3[%dma_wait3A] : memref<5760xf32, #tpu.memory_space<hbm>> -> memref<528xf32, #tpu.memory_space<hbm>>
      %dma_wait3A_54 = arith.constant 2592 : i32
      %dma_wait3A_55 = tpu.memref_slice %arg3[%dma_wait3A_54] : memref<5760xf32, #tpu.memory_space<hbm>> -> memref<528xf32, #tpu.memory_space<hbm>>
      tpu.wait_dma2 semaphore(%run_scoped3A : memref<!tpu.dma_semaphore, #tpu.memory_space<semaphore_mem>>) src(%dma_wait3A_55 : memref<528xf32, #tpu.memory_space<hbm>>) dst(%arg14 : memref<528xf32, #tpu.memory_space<vmem>>)
      tpu.yield
    }) : () -> ()
    "tpu.region"() ({
      %run_scoped3A = tpu.sem_alloc : memref<!tpu.dma_semaphore, #tpu.memory_space<semaphore_mem>>
      %dma_start3A = arith.constant 3120 : i32
      %dma_start3A_50 = tpu.memref_slice %arg3[%dma_start3A] : memref<5760xf32, #tpu.memory_space<hbm>> -> memref<528xf32, #tpu.memory_space<hbm>>
      %dma_start3A_51 = arith.constant 3120 : i32
      %dma_start3A_52 = tpu.memref_slice %arg3[%dma_start3A_51] : memref<5760xf32, #tpu.memory_space<hbm>> -> memref<528xf32, #tpu.memory_space<hbm>>
      tpu.enqueue_dma source(%dma_start3A_52 : memref<528xf32, #tpu.memory_space<hbm>>) target(%arg15 : memref<528xf32, #tpu.memory_space<vmem>>) target_semaphore(%run_scoped3A : memref<!tpu.dma_semaphore, #tpu.memory_space<semaphore_mem>>)
      %dma_wait3A = arith.constant 3120 : i32
      %dma_wait3A_53 = tpu.memref_slice %arg3[%dma_wait3A] : memref<5760xf32, #tpu.memory_space<hbm>> -> memref<528xf32, #tpu.memory_space<hbm>>
      %dma_wait3A_54 = arith.constant 3120 : i32
      %dma_wait3A_55 = tpu.memref_slice %arg3[%dma_wait3A_54] : memref<5760xf32, #tpu.memory_space<hbm>> -> memref<528xf32, #tpu.memory_space<hbm>>
      tpu.wait_dma2 semaphore(%run_scoped3A : memref<!tpu.dma_semaphore, #tpu.memory_space<semaphore_mem>>) src(%dma_wait3A_55 : memref<528xf32, #tpu.memory_space<hbm>>) dst(%arg15 : memref<528xf32, #tpu.memory_space<vmem>>)
      tpu.yield
    }) : () -> ()
    "tpu.region"() ({
      %run_scoped3A = tpu.sem_alloc : memref<!tpu.dma_semaphore, #tpu.memory_space<semaphore_mem>>
      %dma_start3A = arith.constant 3648 : i32
      %dma_start3A_50 = tpu.memref_slice %arg3[%dma_start3A] : memref<5760xf32, #tpu.memory_space<hbm>> -> memref<528xf32, #tpu.memory_space<hbm>>
      %dma_start3A_51 = arith.constant 3648 : i32
      %dma_start3A_52 = tpu.memref_slice %arg3[%dma_start3A_51] : memref<5760xf32, #tpu.memory_space<hbm>> -> memref<528xf32, #tpu.memory_space<hbm>>
      tpu.enqueue_dma source(%dma_start3A_52 : memref<528xf32, #tpu.memory_space<hbm>>) target(%arg16 : memref<528xf32, #tpu.memory_space<vmem>>) target_semaphore(%run_scoped3A : memref<!tpu.dma_semaphore, #tpu.memory_space<semaphore_mem>>)
      %dma_wait3A = arith.constant 3648 : i32
      %dma_wait3A_53 = tpu.memref_slice %arg3[%dma_wait3A] : memref<5760xf32, #tpu.memory_space<hbm>> -> memref<528xf32, #tpu.memory_space<hbm>>
      %dma_wait3A_54 = arith.constant 3648 : i32
      %dma_wait3A_55 = tpu.memref_slice %arg3[%dma_wait3A_54] : memref<5760xf32, #tpu.memory_space<hbm>> -> memref<528xf32, #tpu.memory_space<hbm>>
      tpu.wait_dma2 semaphore(%run_scoped3A : memref<!tpu.dma_semaphore, #tpu.memory_space<semaphore_mem>>) src(%dma_wait3A_55 : memref<528xf32, #tpu.memory_space<hbm>>) dst(%arg16 : memref<528xf32, #tpu.memory_space<vmem>>)
      tpu.yield
    }) : () -> ()
    "tpu.region"() ({
      %run_scoped3A = tpu.sem_alloc : memref<!tpu.dma_semaphore, #tpu.memory_space<semaphore_mem>>
      %dma_start3A = arith.constant 4176 : i32
      %dma_start3A_50 = tpu.memref_slice %arg3[%dma_start3A] : memref<5760xf32, #tpu.memory_space<hbm>> -> memref<528xf32, #tpu.memory_space<hbm>>
      %dma_start3A_51 = arith.constant 4176 : i32
      %dma_start3A_52 = tpu.memref_slice %arg3[%dma_start3A_51] : memref<5760xf32, #tpu.memory_space<hbm>> -> memref<528xf32, #tpu.memory_space<hbm>>
      tpu.enqueue_dma source(%dma_start3A_52 : memref<528xf32, #tpu.memory_space<hbm>>) target(%arg17 : memref<528xf32, #tpu.memory_space<vmem>>) target_semaphore(%run_scoped3A : memref<!tpu.dma_semaphore, #tpu.memory_space<semaphore_mem>>)
      %dma_wait3A = arith.constant 4176 : i32
      %dma_wait3A_53 = tpu.memref_slice %arg3[%dma_wait3A] : memref<5760xf32, #tpu.memory_space<hbm>> -> memref<528xf32, #tpu.memory_space<hbm>>
      %dma_wait3A_54 = arith.constant 4176 : i32
      %dma_wait3A_55 = tpu.memref_slice %arg3[%dma_wait3A_54] : memref<5760xf32, #tpu.memory_space<hbm>> -> memref<528xf32, #tpu.memory_space<hbm>>
      tpu.wait_dma2 semaphore(%run_scoped3A : memref<!tpu.dma_semaphore, #tpu.memory_space<semaphore_mem>>) src(%dma_wait3A_55 : memref<528xf32, #tpu.memory_space<hbm>>) dst(%arg17 : memref<528xf32, #tpu.memory_space<vmem>>)
      tpu.yield
    }) : () -> ()
    "tpu.region"() ({
      %run_scoped3A = tpu.sem_alloc : memref<!tpu.dma_semaphore, #tpu.memory_space<semaphore_mem>>
      %dma_start3A = arith.constant 4704 : i32
      %dma_start3A_50 = tpu.memref_slice %arg3[%dma_start3A] : memref<5760xf32, #tpu.memory_space<hbm>> -> memref<528xf32, #tpu.memory_space<hbm>>
      %dma_start3A_51 = arith.constant 4704 : i32
      %dma_start3A_52 = tpu.memref_slice %arg3[%dma_start3A_51] : memref<5760xf32, #tpu.memory_space<hbm>> -> memref<528xf32, #tpu.memory_space<hbm>>
      tpu.enqueue_dma source(%dma_start3A_52 : memref<528xf32, #tpu.memory_space<hbm>>) target(%arg18 : memref<528xf32, #tpu.memory_space<vmem>>) target_semaphore(%run_scoped3A : memref<!tpu.dma_semaphore, #tpu.memory_space<semaphore_mem>>)
      %dma_wait3A = arith.constant 4704 : i32
      %dma_wait3A_53 = tpu.memref_slice %arg3[%dma_wait3A] : memref<5760xf32, #tpu.memory_space<hbm>> -> memref<528xf32, #tpu.memory_space<hbm>>
      %dma_wait3A_54 = arith.constant 4704 : i32
      %dma_wait3A_55 = tpu.memref_slice %arg3[%dma_wait3A_54] : memref<5760xf32, #tpu.memory_space<hbm>> -> memref<528xf32, #tpu.memory_space<hbm>>
      tpu.wait_dma2 semaphore(%run_scoped3A : memref<!tpu.dma_semaphore, #tpu.memory_space<semaphore_mem>>) src(%dma_wait3A_55 : memref<528xf32, #tpu.memory_space<hbm>>) dst(%arg18 : memref<528xf32, #tpu.memory_space<vmem>>)
      tpu.yield
    }) : () -> ()
    "tpu.region"() ({
      %run_scoped3A = tpu.sem_alloc : memref<!tpu.dma_semaphore, #tpu.memory_space<semaphore_mem>>
      %dma_start3A = arith.constant 5232 : i32
      %dma_start3A_50 = tpu.memref_slice %arg3[%dma_start3A] : memref<5760xf32, #tpu.memory_space<hbm>> -> memref<528xf32, #tpu.memory_space<hbm>>
      %dma_start3A_51 = arith.constant 5232 : i32
      %dma_start3A_52 = tpu.memref_slice %arg3[%dma_start3A_51] : memref<5760xf32, #tpu.memory_space<hbm>> -> memref<528xf32, #tpu.memory_space<hbm>>
      tpu.enqueue_dma source(%dma_start3A_52 : memref<528xf32, #tpu.memory_space<hbm>>) target(%arg19 : memref<528xf32, #tpu.memory_space<vmem>>) target_semaphore(%run_scoped3A : memref<!tpu.dma_semaphore, #tpu.memory_space<semaphore_mem>>)
      %dma_wait3A = arith.constant 5232 : i32
      %dma_wait3A_53 = tpu.memref_slice %arg3[%dma_wait3A] : memref<5760xf32, #tpu.memory_space<hbm>> -> memref<528xf32, #tpu.memory_space<hbm>>
      %dma_wait3A_54 = arith.constant 5232 : i32
      %dma_wait3A_55 = tpu.memref_slice %arg3[%dma_wait3A_54] : memref<5760xf32, #tpu.memory_space<hbm>> -> memref<528xf32, #tpu.memory_space<hbm>>
      tpu.wait_dma2 semaphore(%run_scoped3A : memref<!tpu.dma_semaphore, #tpu.memory_space<semaphore_mem>>) src(%dma_wait3A_55 : memref<528xf32, #tpu.memory_space<hbm>>) dst(%arg19 : memref<528xf32, #tpu.memory_space<vmem>>)
      tpu.yield
    }) : () -> ()
    "tpu.region"() ({
      %run_scoped3A = tpu.sem_alloc : memref<!tpu.dma_semaphore, #tpu.memory_space<semaphore_mem>>
      %dma_start3A = arith.constant 0 : i32
      %dma_start3A_50 = tpu.memref_slice %arg4[%dma_start3A] : memref<1744xi32, #tpu.memory_space<hbm>> -> memref<528xi32, #tpu.memory_space<hbm>>
      %dma_start3A_51 = arith.constant 0 : i32
      %dma_start3A_52 = tpu.memref_slice %arg4[%dma_start3A_51] : memref<1744xi32, #tpu.memory_space<hbm>> -> memref<528xi32, #tpu.memory_space<hbm>>
      tpu.enqueue_dma source(%dma_start3A_52 : memref<528xi32, #tpu.memory_space<hbm>>) target(%arg20 : memref<528xi32, #tpu.memory_space<vmem>>) target_semaphore(%run_scoped3A : memref<!tpu.dma_semaphore, #tpu.memory_space<semaphore_mem>>)
      %dma_wait3A = arith.constant 0 : i32
      %dma_wait3A_53 = tpu.memref_slice %arg4[%dma_wait3A] : memref<1744xi32, #tpu.memory_space<hbm>> -> memref<528xi32, #tpu.memory_space<hbm>>
      %dma_wait3A_54 = arith.constant 0 : i32
      %dma_wait3A_55 = tpu.memref_slice %arg4[%dma_wait3A_54] : memref<1744xi32, #tpu.memory_space<hbm>> -> memref<528xi32, #tpu.memory_space<hbm>>
      tpu.wait_dma2 semaphore(%run_scoped3A : memref<!tpu.dma_semaphore, #tpu.memory_space<semaphore_mem>>) src(%dma_wait3A_55 : memref<528xi32, #tpu.memory_space<hbm>>) dst(%arg20 : memref<528xi32, #tpu.memory_space<vmem>>)
      tpu.yield
    }) : () -> ()
    "tpu.region"() ({
      %run_scoped3A = tpu.sem_alloc : memref<!tpu.dma_semaphore, #tpu.memory_space<semaphore_mem>>
      %dma_start3A = arith.constant 528 : i32
      %dma_start3A_50 = tpu.memref_slice %arg4[%dma_start3A] : memref<1744xi32, #tpu.memory_space<hbm>> -> memref<688xi32, #tpu.memory_space<hbm>>
      %dma_start3A_51 = arith.constant 528 : i32
      %dma_start3A_52 = tpu.memref_slice %arg4[%dma_start3A_51] : memref<1744xi32, #tpu.memory_space<hbm>> -> memref<688xi32, #tpu.memory_space<hbm>>
      tpu.enqueue_dma source(%dma_start3A_52 : memref<688xi32, #tpu.memory_space<hbm>>) target(%arg21 : memref<688xi32, #tpu.memory_space<vmem>>) target_semaphore(%run_scoped3A : memref<!tpu.dma_semaphore, #tpu.memory_space<semaphore_mem>>)
      %dma_wait3A = arith.constant 528 : i32
      %dma_wait3A_53 = tpu.memref_slice %arg4[%dma_wait3A] : memref<1744xi32, #tpu.memory_space<hbm>> -> memref<688xi32, #tpu.memory_space<hbm>>
      %dma_wait3A_54 = arith.constant 528 : i32
      %dma_wait3A_55 = tpu.memref_slice %arg4[%dma_wait3A_54] : memref<1744xi32, #tpu.memory_space<hbm>> -> memref<688xi32, #tpu.memory_space<hbm>>
      tpu.wait_dma2 semaphore(%run_scoped3A : memref<!tpu.dma_semaphore, #tpu.memory_space<semaphore_mem>>) src(%dma_wait3A_55 : memref<688xi32, #tpu.memory_space<hbm>>) dst(%arg21 : memref<688xi32, #tpu.memory_space<vmem>>)
      tpu.yield
    }) : () -> ()
    "tpu.region"() ({
      %run_scoped3A = tpu.sem_alloc : memref<!tpu.dma_semaphore, #tpu.memory_space<semaphore_mem>>
      %dma_start3A = arith.constant 1216 : i32
      %dma_start3A_50 = tpu.memref_slice %arg4[%dma_start3A] : memref<1744xi32, #tpu.memory_space<hbm>> -> memref<528xi32, #tpu.memory_space<hbm>>
      %dma_start3A_51 = arith.constant 1216 : i32
      %dma_start3A_52 = tpu.memref_slice %arg4[%dma_start3A_51] : memref<1744xi32, #tpu.memory_space<hbm>> -> memref<528xi32, #tpu.memory_space<hbm>>
      tpu.enqueue_dma source(%dma_start3A_52 : memref<528xi32, #tpu.memory_space<hbm>>) target(%arg22 : memref<528xi32, #tpu.memory_space<vmem>>) target_semaphore(%run_scoped3A : memref<!tpu.dma_semaphore, #tpu.memory_space<semaphore_mem>>)
      %dma_wait3A = arith.constant 1216 : i32
      %dma_wait3A_53 = tpu.memref_slice %arg4[%dma_wait3A] : memref<1744xi32, #tpu.memory_space<hbm>> -> memref<528xi32, #tpu.memory_space<hbm>>
      %dma_wait3A_54 = arith.constant 1216 : i32
      %dma_wait3A_55 = tpu.memref_slice %arg4[%dma_wait3A_54] : memref<1744xi32, #tpu.memory_space<hbm>> -> memref<528xi32, #tpu.memory_space<hbm>>
      tpu.wait_dma2 semaphore(%run_scoped3A : memref<!tpu.dma_semaphore, #tpu.memory_space<semaphore_mem>>) src(%dma_wait3A_55 : memref<528xi32, #tpu.memory_space<hbm>>) dst(%arg22 : memref<528xi32, #tpu.memory_space<vmem>>)
      tpu.yield
    }) : () -> ()
    "tpu.region"() ({
      %run_scoped3A = tpu.sem_alloc : memref<!tpu.dma_semaphore, #tpu.memory_space<semaphore_mem>>
      tpu.enqueue_dma source(%arg5 : memref<64xf32, #tpu.memory_space<hbm>>) target(%arg23 : memref<64xf32, #tpu.memory_space<vmem>>) target_semaphore(%run_scoped3A : memref<!tpu.dma_semaphore, #tpu.memory_space<semaphore_mem>>)
      tpu.wait_dma2 semaphore(%run_scoped3A : memref<!tpu.dma_semaphore, #tpu.memory_space<semaphore_mem>>) src(%arg5 : memref<64xf32, #tpu.memory_space<hbm>>) dst(%arg23 : memref<64xf32, #tpu.memory_space<vmem>>)
      tpu.yield
    }) : () -> ()
    "tpu.region"() ({
      %run_scoped3A = tpu.sem_alloc : memref<!tpu.dma_semaphore, #tpu.memory_space<semaphore_mem>>
      tpu.enqueue_dma source(%arg6 : memref<64xf32, #tpu.memory_space<hbm>>) target(%arg24 : memref<64xf32, #tpu.memory_space<vmem>>) target_semaphore(%run_scoped3A : memref<!tpu.dma_semaphore, #tpu.memory_space<semaphore_mem>>)
      tpu.wait_dma2 semaphore(%run_scoped3A : memref<!tpu.dma_semaphore, #tpu.memory_space<semaphore_mem>>) src(%arg6 : memref<64xf32, #tpu.memory_space<hbm>>) dst(%arg24 : memref<64xf32, #tpu.memory_space<vmem>>)
      tpu.yield
    }) : () -> ()
    %iota3A = tpu.iota {dimensions = array<i32: 0>} : vector<16xi32>
    %eq3A = arith.constant 0 : i32
    %eq3A_3 = vector.broadcast %eq3A : i32 to vector<16xi32>
    %eq3A_4 = arith.cmpi eq, %iota3A, %eq3A_3 : vector<16xi32>
    %broadcast_in_dim3A = arith.constant 31 : i32
    %broadcast_in_dim3A_5 = vector.broadcast %broadcast_in_dim3A : i32 to vector<16xi32>
    %gather3A = tpu.vector_load_idx %arg23[%broadcast_in_dim3A_5] : memref<64xf32, #tpu.memory_space<vmem>>[vector<16xi32>], vector<16xf32>,
    %broadcast_in_dim3A_6 = arith.constant 1 : i32
    %broadcast_in_dim3A_7 = vector.broadcast %broadcast_in_dim3A_6 : i32 to vector<16xi32>
    %broadcast_in_dim3A_8 = arith.constant 2 : i32
    %broadcast_in_dim3A_9 = vector.broadcast %broadcast_in_dim3A_8 : i32 to vector<16xi32>
    %broadcast_in_dim3A_10 = arith.constant 3 : i32
    %broadcast_in_dim3A_11 = vector.broadcast %broadcast_in_dim3A_10 : i32 to vector<16xi32>
    %broadcast_in_dim3A_12 = arith.constant 1597463007 : i32
    %broadcast_in_dim3A_13 = vector.broadcast %broadcast_in_dim3A_12 : i32 to vector<16xi32>
    %broadcast_in_dim3A_14 = arith.constant 32767 : i32
    %broadcast_in_dim3A_15 = vector.broadcast %broadcast_in_dim3A_14 : i32 to vector<16xi32>
    %broadcast_in_dim3A_16 = arith.constant -65536 : i32
    %broadcast_in_dim3A_17 = vector.broadcast %broadcast_in_dim3A_16 : i32 to vector<16xi32>
    %broadcast_in_dim3A_18 = arith.constant 32 : i32
    %broadcast_in_dim3A_19 = vector.broadcast %broadcast_in_dim3A_18 : i32 to vector<16xi32>
    %broadcast_in_dim3A_20 = arith.constant 16 : i32
    %broadcast_in_dim3A_21 = vector.broadcast %broadcast_in_dim3A_20 : i32 to vector<16xi32>
    %broadcast_in_dim3A_22 = arith.constant 8 : i32
    %broadcast_in_dim3A_23 = vector.broadcast %broadcast_in_dim3A_22 : i32 to vector<16xi32>
    %broadcast_in_dim3A_24 = arith.constant 4 : i32
    %broadcast_in_dim3A_25 = vector.broadcast %broadcast_in_dim3A_24 : i32 to vector<16xi32>
    %broadcast_in_dim3A_26 = arith.constant 2 : i32
    %broadcast_in_dim3A_27 = vector.broadcast %broadcast_in_dim3A_26 : i32 to vector<16xi32>
    %broadcast_in_dim3A_28 = arith.constant 1 : i32
    %broadcast_in_dim3A_29 = vector.broadcast %broadcast_in_dim3A_28 : i32 to vector<16xi32>
    %broadcast_in_dim3A_30 = arith.constant 15 : i32
    %broadcast_in_dim3A_31 = vector.broadcast %broadcast_in_dim3A_30 : i32 to vector<16xi32>
    %broadcast_in_dim3A_32 = arith.constant 7 : i32
    %broadcast_in_dim3A_33 = vector.broadcast %broadcast_in_dim3A_32 : i32 to vector<16xi32>
    %broadcast_in_dim3A_34 = arith.constant 3 : i32
    %broadcast_in_dim3A_35 = vector.broadcast %broadcast_in_dim3A_34 : i32 to vector<16xi32>
    %broadcast_in_dim3A_36 = arith.constant 1 : i32
    %broadcast_in_dim3A_37 = vector.broadcast %broadcast_in_dim3A_36 : i32 to vector<16xi32>
    %broadcast_in_dim3A_38 = arith.constant 0 : i32
    %broadcast_in_dim3A_39 = vector.broadcast %broadcast_in_dim3A_38 : i32 to vector<16xi32>
    %broadcast_in_dim3A_40 = arith.constant 0 : i32
    %broadcast_in_dim3A_41 = vector.broadcast %broadcast_in_dim3A_40 : i32 to vector<16xi32>
    %broadcast_in_dim3A_42 = arith.constant 0.000000e+00 : f32
    %broadcast_in_dim3A_43 = vector.broadcast %broadcast_in_dim3A_42 : f32 to vector<16xf32>
    %swap3A = arith.constant 512 : index
    %swap3A_44 = tpu.vector_load %arg27[%swap3A] {strides = array<i32>} : memref<528xf32, #tpu.memory_space<vmem>>, vector<16xf32>,
    tpu.vector_store %arg27[%swap3A], %broadcast_in_dim3A_43 {strides = array<i32>} : memref<528xf32, #tpu.memory_space<vmem>>, vector<16xf32>,
    %scan3A = arith.constant 0 : i32
    %scan3A_45 = arith.constant 0 : i32
    %scan3A_46 = arith.constant 8 : i32
    %scan3A_47 = arith.addi %scan3A_45, %scan3A_46 : i32
    %scan3A_48 = arith.constant 1 : i32
    scf.for %scan3A_50 = %scan3A_45 to %scan3A_47 step %scan3A_48  : i32 {
      %mul3A_51 = arith.constant 16 : i32
      %mul3A_52 = arith.muli %scan3A_50, %mul3A_51 : i32
      %add3A_53 = arith.addi %mul3A_2, %mul3A_52 : i32
      %mul3A_54 = arith.constant 512 : i32
      %mul3A_55 = arith.muli %add3A_53, %mul3A_54 : i32
      "tpu.region"() ({
        %run_scoped3A = tpu.sem_alloc : memref<!tpu.dma_semaphore, #tpu.memory_space<semaphore_mem>>
        %dma_start3A = tpu.memref_slice %arg2[%mul3A_55] : memref<2097152xf32, #tpu.memory_space<hbm>> -> memref<8192xf32, #tpu.memory_space<hbm>>
        %dma_start3A_66 = tpu.memref_slice %arg2[%mul3A_55] : memref<2097152xf32, #tpu.memory_space<hbm>> -> memref<8192xf32, #tpu.memory_space<hbm>>
        tpu.enqueue_dma source(%dma_start3A_66 : memref<8192xf32, #tpu.memory_space<hbm>>) target(%arg25 : memref<8192xf32, #tpu.memory_space<vmem>>) target_semaphore(%run_scoped3A : memref<!tpu.dma_semaphore, #tpu.memory_space<semaphore_mem>>)
        %dma_wait3A = tpu.memref_slice %arg2[%mul3A_55] : memref<2097152xf32, #tpu.memory_space<hbm>> -> memref<8192xf32, #tpu.memory_space<hbm>>
        %dma_wait3A_67 = tpu.memref_slice %arg2[%mul3A_55] : memref<2097152xf32, #tpu.memory_space<hbm>> -> memref<8192xf32, #tpu.memory_space<hbm>>
        tpu.wait_dma2 semaphore(%run_scoped3A : memref<!tpu.dma_semaphore, #tpu.memory_space<semaphore_mem>>) src(%dma_wait3A_67 : memref<8192xf32, #tpu.memory_space<hbm>>) dst(%arg25 : memref<8192xf32, #tpu.memory_space<vmem>>)
        tpu.yield
      }) : () -> ()
      %scan3A_56 = arith.constant 0 : i32
      %scan3A_57 = arith.constant 0 : i32
      %scan3A_58 = arith.constant 16 : i32
      %scan3A_59 = arith.addi %scan3A_57, %scan3A_58 : i32
      %scan3A_60 = arith.constant 1 : i32
      scf.for %scan3A_66 = %scan3A_57 to %scan3A_59 step %scan3A_60  : i32 {
        %mul3A_67 = arith.constant 512 : i32
        %mul3A_68 = arith.muli %scan3A_66, %mul3A_67 : i32
        %broadcast_in_dim3A_69 = vector.broadcast %mul3A_68 : i32 to vector<16xi32>
        %broadcast_in_dim3A_70 = arith.constant 0.000000e+00 : f32
        %broadcast_in_dim3A_71 = vector.broadcast %broadcast_in_dim3A_70 : f32 to vector<16xf32>
        %scan3A_72 = arith.constant 0 : i32
        %scan3A_73 = arith.constant 32 : i32
        %scan3A_74 = arith.addi %scan3A_72, %scan3A_73 : i32
        %scan3A_75 = arith.constant 1 : i32
        %scan3A_76 = scf.for %scan3A_132 = %scan3A_72 to %scan3A_74 step %scan3A_75 iter_args(%scan3A_133 = %broadcast_in_dim3A_71) -> (vector<16xf32>)  : i32 {
          %mul3A_134 = arith.constant 512 : i32
          %mul3A_135 = arith.muli %scan3A_66, %mul3A_134 : i32
          %mul3A_136 = arith.constant 16 : i32
          %mul3A_137 = arith.muli %scan3A_132, %mul3A_136 : i32
          %add3A_138 = arith.addi %mul3A_135, %mul3A_137 : i32
          %get3A = arith.index_cast %add3A_138 : i32 to index
          %get3A_139 = tpu.vector_load %arg25[%get3A] {strides = array<i32>} : memref<8192xf32, #tpu.memory_space<vmem>>, vector<16xf32>,
          %mul3A_140 = arith.mulf %get3A_139, %get3A_139 : vector<16xf32>
          %add3A_141 = arith.addf %scan3A_133, %mul3A_140 : vector<16xf32>
          scf.yield %add3A_141 : vector<16xf32>
        }
        %scan3A_77 = arith.constant 32 : i32
        %reduce_sum3A = arith.constant true
        %reduce_sum3A_78 = vector.broadcast %reduce_sum3A : i1 to vector<16xi1>
        %reduce_sum3A_79 = tpu.scan <sum>, %scan3A_76 masked %reduce_sum3A_78 : vector<16xf32>, vector<16xi1> -> vector<16xf32>
        %reduce_sum3A_80 = vector.extract %reduce_sum3A_79[15] : f32 from vector<16xf32>
        %broadcast_in_dim3A_81 = vector.broadcast %reduce_sum3A_80 : f32 to vector<16xf32>
        %max3A = arith.constant 1.000000e-16 : f32
        %max3A_82 = vector.broadcast %max3A : f32 to vector<16xf32>
        %max3A_83 = arith.maximumf %broadcast_in_dim3A_81, %max3A_82 : vector<16xf32>
        %bitcast3A = vector.bitcast %max3A_83 : vector<16xf32> to vector<16xi32>
        %shift_right_logical3A = arith.shrui %bitcast3A, %broadcast_in_dim3A_7 : vector<16xi32>
        %sub3A = arith.subi %broadcast_in_dim3A_13, %shift_right_logical3A : vector<16xi32>
        %bitcast3A_84 = vector.bitcast %sub3A : vector<16xi32> to vector<16xf32>
        %mul3A_85 = arith.constant -5.000000e-01 : f32
        %mul3A_86 = vector.broadcast %mul3A_85 : f32 to vector<16xf32>
        %mul3A_87 = arith.mulf %max3A_83, %mul3A_86 : vector<16xf32>
        %mul3A_88 = arith.mulf %mul3A_87, %bitcast3A_84 : vector<16xf32>
        %mul3A_89 = arith.mulf %mul3A_88, %bitcast3A_84 : vector<16xf32>
        %add3A_90 = arith.constant 1.500000e+00 : f32
        %add3A_91 = vector.broadcast %add3A_90 : f32 to vector<16xf32>
        %add3A_92 = arith.addf %add3A_91, %mul3A_89 : vector<16xf32>
        %mul3A_93 = arith.mulf %bitcast3A_84, %add3A_92 : vector<16xf32>
        %mul3A_94 = arith.mulf %mul3A_87, %mul3A_93 : vector<16xf32>
        %mul3A_95 = arith.mulf %mul3A_94, %mul3A_93 : vector<16xf32>
        %add3A_96 = arith.constant 1.500000e+00 : f32
        %add3A_97 = vector.broadcast %add3A_96 : f32 to vector<16xf32>
        %add3A_98 = arith.addf %add3A_97, %mul3A_95 : vector<16xf32>
        %mul3A_99 = arith.mulf %mul3A_93, %add3A_98 : vector<16xf32>
        %mul3A_100 = arith.mulf %mul3A_87, %mul3A_99 : vector<16xf32>
        %mul3A_101 = arith.mulf %mul3A_100, %mul3A_99 : vector<16xf32>
        %add3A_102 = arith.constant 1.500000e+00 : f32
        %add3A_103 = vector.broadcast %add3A_102 : f32 to vector<16xf32>
        %add3A_104 = arith.addf %add3A_103, %mul3A_101 : vector<16xf32>
        %mul3A_105 = arith.mulf %mul3A_99, %add3A_104 : vector<16xf32>
        %mul3A_106 = arith.mulf %max3A_83, %mul3A_105 : vector<16xf32>
        %broadcast_in_dim3A_107 = vector.broadcast %scan3A_66 : i32 to vector<16xi32>
        tpu.vector_store_idx %arg31[%broadcast_in_dim3A_107], %mul3A_106 masked %eq3A_4 : memref<16xf32, #tpu.memory_space<vmem>>[vector<16xi32>], vector<16xf32>, vector<16xi1>
        %scan3A_108 = arith.constant 0 : i32
        %scan3A_109 = arith.constant 0 : i32
        %scan3A_110 = arith.constant 32 : i32
        %scan3A_111 = arith.addi %scan3A_109, %scan3A_110 : i32
        %scan3A_112 = arith.constant 1 : i32
        scf.for %scan3A_132 = %scan3A_109 to %scan3A_111 step %scan3A_112  : i32 {
          %mul3A_133 = arith.constant 16 : i32
          %mul3A_134 = arith.muli %scan3A_132, %mul3A_133 : i32
          %mul3A_135 = arith.constant 512 : i32
          %mul3A_136 = arith.muli %scan3A_66, %mul3A_135 : i32
          %add3A_137 = arith.addi %mul3A_136, %mul3A_134 : i32
          %get3A = arith.index_cast %add3A_137 : i32 to index
          %get3A_138 = tpu.vector_load %arg25[%get3A] {strides = array<i32>} : memref<8192xf32, #tpu.memory_space<vmem>>, vector<16xf32>,
          %div3A = arith.divf %get3A_138, %mul3A_106 : vector<16xf32>
          %bitcast3A_139 = vector.bitcast %div3A : vector<16xf32> to vector<16xi32>
          %add3A_140 = arith.addi %bitcast3A_139, %broadcast_in_dim3A_15 : vector<16xi32>
          %broadcast_in_dim3A_141 = arith.constant 16 : i32
          %broadcast_in_dim3A_142 = vector.broadcast %broadcast_in_dim3A_141 : i32 to vector<16xi32>
          %shift_right_logical3A_143 = arith.shrui %bitcast3A_139, %broadcast_in_dim3A_142 : vector<16xi32>
          %and3A = arith.andi %shift_right_logical3A_143, %broadcast_in_dim3A_7 : vector<16xi32>
          %add3A_144 = arith.addi %add3A_140, %and3A : vector<16xi32>
          %and3A_145 = arith.andi %add3A_144, %broadcast_in_dim3A_17 : vector<16xi32>
          %bitcast3A_146 = vector.bitcast %and3A_145 : vector<16xi32> to vector<16xf32>
          %swap3A_147 = arith.index_cast %mul3A_134 : i32 to index
          %swap3A_148 = tpu.vector_load %arg27[%swap3A_147] {strides = array<i32>} : memref<528xf32, #tpu.memory_space<vmem>>, vector<16xf32>,
          tpu.vector_store %arg27[%swap3A_147], %bitcast3A_146 {strides = array<i32>} : memref<528xf32, #tpu.memory_space<vmem>>, vector<16xf32>,
        }
        %scan3A_113 = arith.constant 32 : i32
        %scan3A_114 = arith.constant 0 : i32
        %scan3A_115 = arith.constant 0 : i32
        %scan3A_116 = arith.constant 43 : i32
        %scan3A_117 = arith.addi %scan3A_115, %scan3A_116 : i32
        %scan3A_118 = arith.constant 1 : i32
        scf.for %scan3A_132 = %scan3A_115 to %scan3A_117 step %scan3A_118  : i32 {
          %mul3A_133 = arith.constant 16 : i32
          %mul3A_134 = arith.muli %scan3A_132, %mul3A_133 : i32
          %get3A = arith.index_cast %mul3A_134 : i32 to index
          %get3A_135 = tpu.vector_load %arg21[%get3A] {strides = array<i32>} : memref<688xi32, #tpu.memory_space<vmem>>, vector<16xi32>,
          %gather3A_136 = tpu.vector_load_idx %arg27[%get3A_135] : memref<528xf32, #tpu.memory_space<vmem>>[vector<16xi32>], vector<16xf32>,
          %add3A_137 = arith.addi %get3A_135, %broadcast_in_dim3A_7 : vector<16xi32>
          %gather3A_138 = tpu.vector_load_idx %arg27[%add3A_137] : memref<528xf32, #tpu.memory_space<vmem>>[vector<16xi32>], vector<16xf32>,
          %add3A_139 = arith.addi %get3A_135, %broadcast_in_dim3A_9 : vector<16xi32>
          %gather3A_140 = tpu.vector_load_idx %arg27[%add3A_139] : memref<528xf32, #tpu.memory_space<vmem>>[vector<16xi32>], vector<16xf32>,
          %get3A_141 = arith.index_cast %mul3A_134 : i32 to index
          %get3A_142 = tpu.vector_load %arg10[%get3A_141] {strides = array<i32>} : memref<688xf32, #tpu.memory_space<vmem>>, vector<16xf32>,
          %get3A_143 = arith.index_cast %mul3A_134 : i32 to index
          %get3A_144 = tpu.vector_load %arg11[%get3A_143] {strides = array<i32>} : memref<688xf32, #tpu.memory_space<vmem>>, vector<16xf32>,
          %get3A_145 = arith.index_cast %mul3A_134 : i32 to index
          %get3A_146 = tpu.vector_load %arg12[%get3A_145] {strides = array<i32>} : memref<688xf32, #tpu.memory_space<vmem>>, vector<16xf32>,
          %mul3A_147 = arith.mulf %gather3A_136, %get3A_142 : vector<16xf32>
          %mul3A_148 = arith.mulf %gather3A_138, %get3A_144 : vector<16xf32>
          %add3A_149 = arith.addf %mul3A_147, %mul3A_148 : vector<16xf32>
          %mul3A_150 = arith.mulf %gather3A_140, %get3A_146 : vector<16xf32>
          %add3A_151 = arith.addf %add3A_149, %mul3A_150 : vector<16xf32>
          %bitcast3A_152 = vector.bitcast %add3A_151 : vector<16xf32> to vector<16xi32>
          %add3A_153 = arith.addi %bitcast3A_152, %broadcast_in_dim3A_15 : vector<16xi32>
          %broadcast_in_dim3A_154 = arith.constant 16 : i32
          %broadcast_in_dim3A_155 = vector.broadcast %broadcast_in_dim3A_154 : i32 to vector<16xi32>
          %shift_right_logical3A_156 = arith.shrui %bitcast3A_152, %broadcast_in_dim3A_155 : vector<16xi32>
          %and3A = arith.andi %shift_right_logical3A_156, %broadcast_in_dim3A_7 : vector<16xi32>
          %add3A_157 = arith.addi %add3A_153, %and3A : vector<16xi32>
          %and3A_158 = arith.andi %add3A_157, %broadcast_in_dim3A_17 : vector<16xi32>
          %bitcast3A_159 = vector.bitcast %and3A_158 : vector<16xi32> to vector<16xf32>
          %swap3A_160 = arith.index_cast %mul3A_134 : i32 to index
          %swap3A_161 = tpu.vector_load %arg28[%swap3A_160] {strides = array<i32>} : memref<688xf32, #tpu.memory_space<vmem>>, vector<16xf32>,
          tpu.vector_store %arg28[%swap3A_160], %bitcast3A_159 {strides = array<i32>} : memref<688xf32, #tpu.memory_space<vmem>>, vector<16xf32>,
        }
        %scan3A_119 = arith.constant 43 : i32
        %scan3A_120 = arith.constant 0 : i32
        %scan3A_121 = arith.constant 0 : i32
        %scan3A_122 = arith.constant 33 : i32
        %scan3A_123 = arith.addi %scan3A_121, %scan3A_122 : i32
        %scan3A_124 = arith.constant 1 : i32
        scf.for %scan3A_132 = %scan3A_121 to %scan3A_123 step %scan3A_124  : i32 {
          %mul3A_133 = arith.constant 16 : i32
          %mul3A_134 = arith.muli %scan3A_132, %mul3A_133 : i32
          %get3A = arith.index_cast %mul3A_134 : i32 to index
          %get3A_135 = tpu.vector_load %arg22[%get3A] {strides = array<i32>} : memref<528xi32, #tpu.memory_space<vmem>>, vector<16xi32>,
          %gather3A_136 = tpu.vector_load_idx %arg28[%get3A_135] : memref<688xf32, #tpu.memory_space<vmem>>[vector<16xi32>], vector<16xf32>,
          %add3A_137 = arith.addi %get3A_135, %broadcast_in_dim3A_7 : vector<16xi32>
          %gather3A_138 = tpu.vector_load_idx %arg28[%add3A_137] : memref<688xf32, #tpu.memory_space<vmem>>[vector<16xi32>], vector<16xf32>,
          %add3A_139 = arith.addi %get3A_135, %broadcast_in_dim3A_9 : vector<16xi32>
          %gather3A_140 = tpu.vector_load_idx %arg28[%add3A_139] : memref<688xf32, #tpu.memory_space<vmem>>[vector<16xi32>], vector<16xf32>,
          %add3A_141 = arith.addi %get3A_135, %broadcast_in_dim3A_11 : vector<16xi32>
          %gather3A_142 = tpu.vector_load_idx %arg28[%add3A_141] : memref<688xf32, #tpu.memory_space<vmem>>[vector<16xi32>], vector<16xf32>,
          %get3A_143 = arith.index_cast %mul3A_134 : i32 to index
          %get3A_144 = tpu.vector_load %arg13[%get3A_143] {strides = array<i32>} : memref<528xf32, #tpu.memory_space<vmem>>, vector<16xf32>,
          %get3A_145 = arith.index_cast %mul3A_134 : i32 to index
          %get3A_146 = tpu.vector_load %arg14[%get3A_145] {strides = array<i32>} : memref<528xf32, #tpu.memory_space<vmem>>, vector<16xf32>,
          %get3A_147 = arith.index_cast %mul3A_134 : i32 to index
          %get3A_148 = tpu.vector_load %arg15[%get3A_147] {strides = array<i32>} : memref<528xf32, #tpu.memory_space<vmem>>, vector<16xf32>,
          %get3A_149 = arith.index_cast %mul3A_134 : i32 to index
          %get3A_150 = tpu.vector_load %arg16[%get3A_149] {strides = array<i32>} : memref<528xf32, #tpu.memory_space<vmem>>, vector<16xf32>,
          %mul3A_151 = arith.mulf %gather3A_136, %get3A_144 : vector<16xf32>
          %mul3A_152 = arith.mulf %gather3A_138, %get3A_146 : vector<16xf32>
          %add3A_153 = arith.addf %mul3A_151, %mul3A_152 : vector<16xf32>
          %mul3A_154 = arith.mulf %gather3A_140, %get3A_148 : vector<16xf32>
          %add3A_155 = arith.addf %add3A_153, %mul3A_154 : vector<16xf32>
          %mul3A_156 = arith.mulf %gather3A_142, %get3A_150 : vector<16xf32>
          %add3A_157 = arith.addf %add3A_155, %mul3A_156 : vector<16xf32>
          %lt3A = arith.cmpf olt, %gather3A, %add3A_157 : vector<16xf32>
          %select_n3A = arith.select %lt3A, %broadcast_in_dim3A_19, %broadcast_in_dim3A_41 : vector<16xi1>, vector<16xi32>
          %add3A_158 = arith.addi %select_n3A, %broadcast_in_dim3A_31 : vector<16xi32>
          %gather3A_159 = tpu.vector_load_idx %arg23[%add3A_158] : memref<64xf32, #tpu.memory_space<vmem>>[vector<16xi32>], vector<16xf32>,
          %lt3A_160 = arith.cmpf olt, %gather3A_159, %add3A_157 : vector<16xf32>
          %select_n3A_161 = arith.select %lt3A_160, %broadcast_in_dim3A_21, %broadcast_in_dim3A_41 : vector<16xi1>, vector<16xi32>
          %add3A_162 = arith.addi %select_n3A, %select_n3A_161 : vector<16xi32>
          %add3A_163 = arith.addi %add3A_162, %broadcast_in_dim3A_33 : vector<16xi32>
          %gather3A_164 = tpu.vector_load_idx %arg23[%add3A_163] : memref<64xf32, #tpu.memory_space<vmem>>[vector<16xi32>], vector<16xf32>,
          %lt3A_165 = arith.cmpf olt, %gather3A_164, %add3A_157 : vector<16xf32>
          %select_n3A_166 = arith.select %lt3A_165, %broadcast_in_dim3A_23, %broadcast_in_dim3A_41 : vector<16xi1>, vector<16xi32>
          %add3A_167 = arith.addi %add3A_162, %select_n3A_166 : vector<16xi32>
          %add3A_168 = arith.addi %add3A_167, %broadcast_in_dim3A_35 : vector<16xi32>
          %gather3A_169 = tpu.vector_load_idx %arg23[%add3A_168] : memref<64xf32, #tpu.memory_space<vmem>>[vector<16xi32>], vector<16xf32>,
          %lt3A_170 = arith.cmpf olt, %gather3A_169, %add3A_157 : vector<16xf32>
          %select_n3A_171 = arith.select %lt3A_170, %broadcast_in_dim3A_25, %broadcast_in_dim3A_41 : vector<16xi1>, vector<16xi32>
          %add3A_172 = arith.addi %add3A_167, %select_n3A_171 : vector<16xi32>
          %add3A_173 = arith.addi %add3A_172, %broadcast_in_dim3A_37 : vector<16xi32>
          %gather3A_174 = tpu.vector_load_idx %arg23[%add3A_173] : memref<64xf32, #tpu.memory_space<vmem>>[vector<16xi32>], vector<16xf32>,
          %lt3A_175 = arith.cmpf olt, %gather3A_174, %add3A_157 : vector<16xf32>
          %select_n3A_176 = arith.select %lt3A_175, %broadcast_in_dim3A_27, %broadcast_in_dim3A_41 : vector<16xi1>, vector<16xi32>
          %add3A_177 = arith.addi %add3A_172, %select_n3A_176 : vector<16xi32>
          %add3A_178 = arith.addi %add3A_177, %broadcast_in_dim3A_39 : vector<16xi32>
          %gather3A_179 = tpu.vector_load_idx %arg23[%add3A_178] : memref<64xf32, #tpu.memory_space<vmem>>[vector<16xi32>], vector<16xf32>,
          %lt3A_180 = arith.cmpf olt, %gather3A_179, %add3A_157 : vector<16xf32>
          %select_n3A_181 = arith.select %lt3A_180, %broadcast_in_dim3A_29, %broadcast_in_dim3A_41 : vector<16xi1>, vector<16xi32>
          %add3A_182 = arith.addi %add3A_177, %select_n3A_181 : vector<16xi32>
          %mul3A_183 = arith.constant 528 : i32
          %mul3A_184 = arith.muli %scan3A_66, %mul3A_183 : i32
          %add3A_185 = arith.addi %mul3A_184, %mul3A_134 : i32
          %swap3A_186 = arith.index_cast %add3A_185 : i32 to index
          %swap3A_187 = tpu.vector_load %arg29[%swap3A_186] {strides = array<i32>} : memref<8448xi32, #tpu.memory_space<vmem>>, vector<16xi32>,
          tpu.vector_store %arg29[%swap3A_186], %add3A_182 {strides = array<i32>} : memref<8448xi32, #tpu.memory_space<vmem>>, vector<16xi32>,
          %gather3A_188 = tpu.vector_load_idx %arg24[%add3A_182] : memref<64xf32, #tpu.memory_space<vmem>>[vector<16xi32>], vector<16xf32>,
          %swap3A_189 = arith.index_cast %mul3A_134 : i32 to index
          %swap3A_190 = tpu.vector_load %arg30[%swap3A_189] {strides = array<i32>} : memref<528xf32, #tpu.memory_space<vmem>>, vector<16xf32>,
          tpu.vector_store %arg30[%swap3A_189], %gather3A_188 {strides = array<i32>} : memref<528xf32, #tpu.memory_space<vmem>>, vector<16xf32>,
        }
        %scan3A_125 = arith.constant 33 : i32
        %scan3A_126 = arith.constant 0 : i32
        %scan3A_127 = arith.constant 0 : i32
        %scan3A_128 = arith.constant 32 : i32
        %scan3A_129 = arith.addi %scan3A_127, %scan3A_128 : i32
        %scan3A_130 = arith.constant 1 : i32
        scf.for %scan3A_132 = %scan3A_127 to %scan3A_129 step %scan3A_130  : i32 {
          %mul3A_133 = arith.constant 16 : i32
          %mul3A_134 = arith.muli %scan3A_132, %mul3A_133 : i32
          %get3A = arith.index_cast %mul3A_134 : i32 to index
          %get3A_135 = tpu.vector_load %arg20[%get3A] {strides = array<i32>} : memref<528xi32, #tpu.memory_space<vmem>>, vector<16xi32>,
          %gather3A_136 = tpu.vector_load_idx %arg30[%get3A_135] : memref<528xf32, #tpu.memory_space<vmem>>[vector<16xi32>], vector<16xf32>,
          %add3A_137 = arith.addi %get3A_135, %broadcast_in_dim3A_7 : vector<16xi32>
          %gather3A_138 = tpu.vector_load_idx %arg30[%add3A_137] : memref<528xf32, #tpu.memory_space<vmem>>[vector<16xi32>], vector<16xf32>,
          %add3A_139 = arith.addi %get3A_135, %broadcast_in_dim3A_9 : vector<16xi32>
          %gather3A_140 = tpu.vector_load_idx %arg30[%add3A_139] : memref<528xf32, #tpu.memory_space<vmem>>[vector<16xi32>], vector<16xf32>,
          %get3A_141 = arith.index_cast %mul3A_134 : i32 to index
          %get3A_142 = tpu.vector_load %arg17[%get3A_141] {strides = array<i32>} : memref<528xf32, #tpu.memory_space<vmem>>, vector<16xf32>,
          %get3A_143 = arith.index_cast %mul3A_134 : i32 to index
          %get3A_144 = tpu.vector_load %arg18[%get3A_143] {strides = array<i32>} : memref<528xf32, #tpu.memory_space<vmem>>, vector<16xf32>,
          %get3A_145 = arith.index_cast %mul3A_134 : i32 to index
          %get3A_146 = tpu.vector_load %arg19[%get3A_145] {strides = array<i32>} : memref<528xf32, #tpu.memory_space<vmem>>, vector<16xf32>,
          %mul3A_147 = arith.mulf %gather3A_136, %get3A_142 : vector<16xf32>
          %mul3A_148 = arith.mulf %gather3A_138, %get3A_144 : vector<16xf32>
          %add3A_149 = arith.addf %mul3A_147, %mul3A_148 : vector<16xf32>
          %mul3A_150 = arith.mulf %gather3A_140, %get3A_146 : vector<16xf32>
          %add3A_151 = arith.addf %add3A_149, %mul3A_150 : vector<16xf32>
          %mul3A_152 = arith.mulf %add3A_151, %mul3A_106 : vector<16xf32>
          %mul3A_153 = arith.constant 512 : i32
          %mul3A_154 = arith.muli %scan3A_66, %mul3A_153 : i32
          %add3A_155 = arith.addi %mul3A_154, %mul3A_134 : i32
          %swap3A_156 = arith.index_cast %add3A_155 : i32 to index
          %swap3A_157 = tpu.vector_load %arg26[%swap3A_156] {strides = array<i32>} : memref<8192xf32, #tpu.memory_space<vmem>>, vector<16xf32>,
          tpu.vector_store %arg26[%swap3A_156], %mul3A_152 {strides = array<i32>} : memref<8192xf32, #tpu.memory_space<vmem>>, vector<16xf32>,
        }
        %scan3A_131 = arith.constant 32 : i32
      }
      %scan3A_61 = arith.constant 16 : i32
      %mul3A_62 = arith.constant 512 : i32
      %mul3A_63 = arith.muli %add3A_53, %mul3A_62 : i32
      "tpu.region"() ({
        %run_scoped3A = tpu.sem_alloc : memref<!tpu.dma_semaphore, #tpu.memory_space<semaphore_mem>>
        %dma_start3A = tpu.memref_slice %arg7[%mul3A_63] : memref<2097152xf32, #tpu.memory_space<hbm>> -> memref<8192xf32, #tpu.memory_space<hbm>>
        %dma_start3A_66 = tpu.memref_slice %arg7[%mul3A_63] : memref<2097152xf32, #tpu.memory_space<hbm>> -> memref<8192xf32, #tpu.memory_space<hbm>>
        tpu.enqueue_dma source(%arg26 : memref<8192xf32, #tpu.memory_space<vmem>>) target(%dma_start3A_66 : memref<8192xf32, #tpu.memory_space<hbm>>) target_semaphore(%run_scoped3A : memref<!tpu.dma_semaphore, #tpu.memory_space<semaphore_mem>>)
        %dma_wait3A = tpu.memref_slice %arg7[%mul3A_63] : memref<2097152xf32, #tpu.memory_space<hbm>> -> memref<8192xf32, #tpu.memory_space<hbm>>
        %dma_wait3A_67 = tpu.memref_slice %arg7[%mul3A_63] : memref<2097152xf32, #tpu.memory_space<hbm>> -> memref<8192xf32, #tpu.memory_space<hbm>>
        tpu.wait_dma2 semaphore(%run_scoped3A : memref<!tpu.dma_semaphore, #tpu.memory_space<semaphore_mem>>) src(%arg26 : memref<8192xf32, #tpu.memory_space<vmem>>) dst(%dma_wait3A_67 : memref<8192xf32, #tpu.memory_space<hbm>>)
        tpu.yield
      }) : () -> ()
      %mul3A_64 = arith.constant 528 : i32
      %mul3A_65 = arith.muli %add3A_53, %mul3A_64 : i32
      "tpu.region"() ({
        %run_scoped3A = tpu.sem_alloc : memref<!tpu.dma_semaphore, #tpu.memory_space<semaphore_mem>>
        %dma_start3A = tpu.memref_slice %arg8[%mul3A_65] : memref<2162688xi32, #tpu.memory_space<hbm>> -> memref<8448xi32, #tpu.memory_space<hbm>>
        %dma_start3A_66 = tpu.memref_slice %arg8[%mul3A_65] : memref<2162688xi32, #tpu.memory_space<hbm>> -> memref<8448xi32, #tpu.memory_space<hbm>>
        tpu.enqueue_dma source(%arg29 : memref<8448xi32, #tpu.memory_space<vmem>>) target(%dma_start3A_66 : memref<8448xi32, #tpu.memory_space<hbm>>) target_semaphore(%run_scoped3A : memref<!tpu.dma_semaphore, #tpu.memory_space<semaphore_mem>>)
        %dma_wait3A = tpu.memref_slice %arg8[%mul3A_65] : memref<2162688xi32, #tpu.memory_space<hbm>> -> memref<8448xi32, #tpu.memory_space<hbm>>
        %dma_wait3A_67 = tpu.memref_slice %arg8[%mul3A_65] : memref<2162688xi32, #tpu.memory_space<hbm>> -> memref<8448xi32, #tpu.memory_space<hbm>>
        tpu.wait_dma2 semaphore(%run_scoped3A : memref<!tpu.dma_semaphore, #tpu.memory_space<semaphore_mem>>) src(%arg29 : memref<8448xi32, #tpu.memory_space<vmem>>) dst(%dma_wait3A_67 : memref<8448xi32, #tpu.memory_space<hbm>>)
        tpu.yield
      }) : () -> ()
      "tpu.region"() ({
        %run_scoped3A = tpu.sem_alloc : memref<!tpu.dma_semaphore, #tpu.memory_space<semaphore_mem>>
        %dma_start3A = tpu.memref_slice %arg9[%add3A_53] : memref<4096xf32, #tpu.memory_space<hbm>> -> memref<16xf32, #tpu.memory_space<hbm>>
        %dma_start3A_66 = tpu.memref_slice %arg9[%add3A_53] : memref<4096xf32, #tpu.memory_space<hbm>> -> memref<16xf32, #tpu.memory_space<hbm>>
        tpu.enqueue_dma source(%arg31 : memref<16xf32, #tpu.memory_space<vmem>>) target(%dma_start3A_66 : memref<16xf32, #tpu.memory_space<hbm>>) target_semaphore(%run_scoped3A : memref<!tpu.dma_semaphore, #tpu.memory_space<semaphore_mem>>)
        %dma_wait3A = tpu.memref_slice %arg9[%add3A_53] : memref<4096xf32, #tpu.memory_space<hbm>> -> memref<16xf32, #tpu.memory_space<hbm>>
        %dma_wait3A_67 = tpu.memref_slice %arg9[%add3A_53] : memref<4096xf32, #tpu.memory_space<hbm>> -> memref<16xf32, #tpu.memory_space<hbm>>
        tpu.wait_dma2 semaphore(%run_scoped3A : memref<!tpu.dma_semaphore, #tpu.memory_space<semaphore_mem>>) src(%arg31 : memref<16xf32, #tpu.memory_space<vmem>>) dst(%dma_wait3A_67 : memref<16xf32, #tpu.memory_space<hbm>>)
        tpu.yield
      }) : () -> ()
    }
    %scan3A_49 = arith.constant 8 : i32
    return
  }
}

</mosaic_0001>

<sc_bundles>
// kernel: kernel.3.cloned.1.call-start
scs
__scs_entry_jumppad:
0x0: {  	(pc) =	sbr.rel $0x88, $3  }
0x1: {  	(tag) =	ssettag $0x0;
	lr =	simm.s32 $0x1  }
0x2: {  	[smem:$0x3F9E] =	sst lr;
	_ =	strace $0xD0000000  }
0x3: {  	_ = 	snop  }
0x4: {  	_ = 	snop  }
0x5: {  	_ = 	snop  }
0x6: {  	_ = 	snop  }
0x7: {  	_ = 	snop  }
__scs_overlays_trampoline_lowered:
0x8: {  	[smem:$0x3FAD] =	sst s0  }
0x9: {  	[smem:$0x3FAE] =	sst s1  }
0xa: {  	[smem:$0x3FAF] =	sst s2  }
0xb: {  	[smem:$0x3FB0] =	sst s3  }
0xc: {  	[smem:$0x3FB1] =	sst s4  }
0xd: {  	[smem:$0x3FB2] =	sst s5  }
0xe: {  	[smem:$0x3FB3] =	sst s6  }
0xf: {  	[smem:$0x3FB4] =	sst s7  }
0x10: {  	[smem:$0x3FB5] =	sst s8  }
0x11: {  	[smem:$0x3FB6] =	sst s9;
	s0 =	simm.s32 @!p0 $0x0  }
0x12: {  	s1 =	sld [smem:$0x3F9C];
	s0 =	simm.s32 @p0 $0x1  }
0x13: {  	[smem:$0x3FB7] =	sst s0;
	s0 =	simm.s32 @!p1 $0x0  }
0x14: {  	s2 =	sld [smem:$0x3F9B];
	s0 =	simm.s32 @p1 $0x1  }
0x15: {  	[smem:$0x3FB8] =	sst s0;
	s0 =	simm.s32 @!p2 $0x0  }
0x16: {  	s3 =	sld [smem:$0x3FDB];
	s0 =	simm.s32 @p2 $0x1  }
0x17: {  	s4 =	simm.s32 $0x1BF5;
	[smem:$0x3FBA] =	sst s0  }
0x18: {  	s0 =	sld [smem:$0x3F9D];
	_ =	swait.ge [sflag:s4], $0x0  }
0x19: {  	s7 =	sld [smem:$0x3F9E]  }
0x1a: {  	s8 =	sadd.s32 $0xFFFFE003, lr  }
0x1b: {  	s9 =	sadd.s32 $0xFFFFFEF7, lr;
	s5 =	simm.s32 $0xFFFFFFFF;
	p2 =	slt.u32 s8, $0xFFFFF086  }
0x1c: {  	p1 =	slt.u32 s9, $0xF7A;
	s5 =	simm.s32 @!p2 $0x0  }
0x1d: {  	s5 =	simm.s32 @p1 $0x1;
	p0 =	seq.s32 s7, s2  }
0x1e: {  	s7 =	smul.u32 @!p0 $0xF7A, s2;
	p2 =	seq.s32 @!p0 s5, $0x0  }
0x1f: {  	s9 =	smul.u32 $0xF7A, s1;
	s8 =	simm.s32 @!p0 $0x1BF5;
	p2 =	por !p2, p0  }
0x20: {  	[sflag:s8] =	ssyncset.s32 @!p0 $0xFFFFF086;
	s6 =	sadd.s32 @!p0 s3, s7;
	s7 =	simm.s32 @!p0 $0x108  }
0x21: {  	s3 =	sadd.s32 s3, s9;
	s6 =	sadd.s32 @!p0 $0x88, s6;
	s7 =	simm.s32 @p2 $0x1082  }
0x22: {  	[simem:s7], [sflag:s8] =	dma.local @!p0 [hbm:s6], $0xF7A  }
0x23: {  	s9 =	sor.u32 $0xD0000000, s2;
	s6 =	simm.s32 $0x108;
	_ =	swait.ge @!p0 [sflag:s8], $0x0  }
0x24: {  	s3 =	sadd.s32 $0x88, s3;
	s6 =	simm.s32 @!p1 $0x1082;
	[sflag:s4] =	ssyncset.s32 $0xFFFFF086  }
0x25: {  	[simem:s6], [sflag:s4] =	dma.local [hbm:s3], $0xF7A  }
0x26: {  	[smem:$0x3F9E] =	sst s1;
	(tag) =	ssettag s2;
	_ =	strace s9  }
0x27: {  	s1 =	sld [smem:$0x3FAE]  }
0x28: {  	s2 =	sld [smem:$0x3FAF]  }
0x29: {  	s4 =	sld [smem:$0x3FB1]  }
0x2a: {  	p0 =	seq.s32 s5, $0x0;
	s5 =	sld [smem:$0x3FB2]  }
0x2b: {  	s6 =	sld [smem:$0x3FB3]  }
0x2c: {  	s7 =	sld [smem:$0x3FB4]  }
0x2d: {  	s3 =	simm.s32 $0x108;
	s8 =	sld [smem:$0x3FB5]  }
0x2e: {  	s3 =	simm.s32 @!p0 $0x1082;
	s9 =	sld [smem:$0x3FB6]  }
0x2f: {  	lr =	sadd.s32 s0, s3;
	s0 =	sld [smem:$0x3FAD]  }
0x30: {  	s3 =	sld [smem:$0x3FB0]  }
0x31: {  	[smem:$0x3FB9] =	sst s10  }
0x32: {  	s10 =	sld [smem:$0x3FB7];
	_ =	sdelay $0x3  }
0x33: {  	p0 =	seq.s32 s10, $0x1;
	s10 =	sld [smem:$0x3FB9];
	_ =	sdelay $0x3  }
0x34: {  	[smem:$0x3FB9] =	sst s10  }
0x35: {  	s10 =	sld [smem:$0x3FB8];
	_ =	sdelay $0x3  }
0x36: {  	p1 =	seq.s32 s10, $0x1;
	s10 =	sld [smem:$0x3FB9];
	_ =	sdelay $0x3  }
0x37: {  	[smem:$0x3FB9] =	sst s10  }
0x38: {  	s10 =	sld [smem:$0x3FBA]  }
0x39: {  	_ = 	snop;
	(pc) =	sbr.ind lr, $3  }
0x3a: {  	_ = 	snop  }
0x3b: {  	_ = 	snop  }
0x3c: {  	p2 =	seq.s32 s10, $0x1;
	s10 =	sld [smem:$0x3FB9]  }
0x3d: {  	_ =	shalt  }
0x3e: {  	_ =	shalt  }
0x3f: {  	_ =	shalt  }
0x40: {  	_ =	shalt  }
0x41: {  	_ =	shalt  }
0x42: {  	_ =	shalt  }
0x43: {  	_ =	shalt  }
0x44: {  	_ =	shalt  }
0x45: {  	_ =	shalt  }
0x46: {  	_ =	shalt  }
0x47: {  	_ =	shalt  }
0x48: {  	_ =	shalt  }
0x49: {  	_ =	shalt  }
0x4a: {  	_ =	shalt  }
0x4b: {  	_ =	shalt  }
0x4c: {  	_ =	shalt  }
0x4d: {  	_ =	shalt  }
0x4e: {  	_ =	shalt  }
0x4f: {  	_ =	shalt  }
0x50: {  	_ =	shalt  }
0x51: {  	_ =	shalt  }
0x52: {  	_ =	shalt  }
0x53: {  	_ =	shalt  }
0x54: {  	_ =	shalt  }
0x55: {  	_ =	shalt  }
0x56: {  	_ =	shalt  }
0x57: {  	_ =	shalt  }
0x58: {  	_ =	shalt  }
0x59: {  	_ =	shalt  }
0x5a: {  	_ =	shalt  }
0x5b: {  	_ =	shalt  }
0x5c: {  	_ =	shalt  }
0x5d: {  	_ =	shalt  }
0x5e: {  	_ =	shalt  }
0x5f: {  	_ =	shalt  }
0x60: {  	_ =	shalt  }
0x61: {  	_ =	shalt  }
0x62: {  	_ =	shalt  }
0x63: {  	_ =	shalt  }
0x64: {  	_ =	shalt  }
0x65: {  	_ =	shalt  }
0x66: {  	_ =	shalt  }
0x67: {  	_ =	shalt  }
0x68: {  	_ =	shalt  }
0x69: {  	_ =	shalt  }
0x6a: {  	_ =	shalt  }
0x6b: {  	_ =	shalt  }
0x6c: {  	_ =	shalt  }
0x6d: {  	_ =	shalt  }
0x6e: {  	_ =	shalt  }
0x6f: {  	_ =	shalt  }
0x70: {  	_ =	shalt  }
0x71: {  	_ =	shalt  }
0x72: {  	_ =	shalt  }
0x73: {  	_ =	shalt  }
0x74: {  	_ =	shalt  }
0x75: {  	_ =	shalt  }
0x76: {  	_ =	shalt  }
0x77: {  	_ =	shalt  }
0x78: {  	_ =	shalt  }
0x79: {  	_ =	shalt  }
0x7a: {  	_ =	shalt  }
0x7b: {  	_ =	shalt  }
0x7c: {  	_ =	shalt  }
0x7d: {  	_ =	shalt  }
0x7e: {  	_ =	shalt  }
0x7f: {  	_ =	shalt  }
0x80: {  	_ =	shalt  }
0x81: {  	_ =	shalt  }
0x82: {  	_ =	shalt  }
0x83: {  	_ =	shalt  }
0x84: {  	_ =	shalt  }
0x85: {  	_ =	shalt  }
0x86: {  	_ =	shalt  }
0x87: {  	_ =	shalt  }
.Lfunc_end0:
.L_simem_size_0:
called_computation_lowered:
.L_overlay_start_0:
0x88: {  	s2 =	sld [smem:$0x3FD9]  }
0x89: {  	s3 =	sld [smem:$0x3FFE];
	_ =	sdelay $0x1  }
0x8a: {  	s1 =	srdreg.scid  }
0x8b: {  	s0 =	sand.u32 $0x1, s1  }
0x8c: {  	s14 =	sshll.u32 s0, $0xA;
	s2 =	sadd.s32 s3, s2  }
0x8d: {  	s2 =	sadd.s32 s2, s14  }
0x8e: {  	[smem:$0x3FC5] =	sst s2  }
0x8f: {  	_ = 	snop  }
0x90: {  	s2 =	sld [smem:$0x3FD0];
	_ =	sdelay $0x2  }
0x91: {  	s4 =	simm.s32 $0xA;
	s5 =	simm.s32 $0x10;
	s15 =	sld [smem:$0x3FC8]  }
0x92: {  	[smem:s5], [sflag:s4] =	dma.local [hbm:s2], $0x1  }
0x93: {  	_ =	swait.eq [sflag:s4], $0x1  }
0x94: {  	s16 =	sld [smem:$0x10];
	[sflag:s4] =	ssyncset.done $0x0  }
0x95: {  	s17 =	sld [smem:$0x11];
	[sflag:s4] =	ssyncadd.s32 $0xFFFFFFFF  }
0x96: {  	s18 =	sld [smem:$0x12];
	(tm) =	ssettm $0x1  }
0x97: {  	s6 =	sld [smem:$0x3FFB];
	_ =	sdelay $0x3  }
0x98: {  	_ =	strace s6  }
0x99: {  	s6 =	sld [smem:$0x3FFC];
	_ =	sdelay $0x3  }
0x9a: {  	_ =	strace s6  }
0x9b: {  	s6 =	sld [smem:$0x3FFD];
	_ =	sdelay $0x3  }
0x9c: {  	_ =	strace s6  }
0x9d: {  	_ =	strace $0x8FFFFFFF  }
0x9e: {  	s19 =	sld [smem:$0x3FDB];
	_ =	sdelay $0x1  }
0x9f: {  	s7 =	simm.s32 $_scs_section_size  }
0xa0: {  	s8 =	simm.s32 $_size__tile_overlayer_lowered;
	s9 =	simm.s32 $_tile_overlayer_lowered  }
0xa1: {  	s22 =	simm.s32 $0x1BFF;
	s21 =	sshll.u32 s9, $0x1;
	s6 =	sadd.s32 s7, s19  }
0xa2: {  	s10 =	simm.s32 $0x0;
	s20 =	sshll.u32 s8, $0x1;
	s8 =	sadd.s32 s21, s6  }
0xa3: {  	[timem:s10], [sflag:s22] =	dma.local [hbm:s8], s20  }
0xa4: {  	_ =	swait.ge [sflag:s22], s20  }
0xa5: {  	s7 =	ssub.s32 $0x0, s20;
	[sflag:s22] =	ssyncset.done $0x0  }
0xa6: {  	[sflag:s22] =	ssyncadd.s32 s7;
	_ =	sdelay $0x1  }
0xa7: {  	s23 =	simm.s32 $0x1B8B  }
0xa8: {  	_ =	swait.ge [sflag:s23], $0x1  }
0xa9: {  	[sflag:s23] =	ssyncset.done $0x0  }
0xaa: {  	s25 =	simm.s32 $0x1B8E;
	s24 =	sld [smem:$0x3FFE];
	[sflag:s23] =	ssyncadd.s32 $0xFFFFFFFF  }
0xab: {  	s26 =	simm.s32 $execute0_lowered;
	[smem:$0x3FD2] =	sst s25  }
0xac: {  	s8 =	sshll.u32 s26, $0x1;
	_ =	strace $0x80000046;
	[dreg:$0x1] =	wrdreg $0xFFFFFFFF  }
0xad: {  	s28 =	simm.s32 $_size_execute0_lowered;
	s6 =	sadd.s32 s6, s8;
	[dreg:$0x0] =	wrdreg $0x0  }
0xae: {  	s8 =	sshll.u32 s28, $0x1;
	[dreg:$0x2] =	wrdreg s6  }
0xaf: {  	[dreg:$0x3] =	wrdreg s8  }
0xb0: {  	[dreg:$0x4] =	wrdreg $0xC0  }
0xb1: {  	_ =	task [dreg:s10], $0x5FFFF  }
0xb2: {  	[dreg:$0x1] =	wrdreg $0xFFFFFFFF  }
0xb3: {  	[dreg:$0x0] =	wrdreg $0x60  }
0xb4: {  	[dreg:$0x2] =	wrdreg s16  }
0xb5: {  	[dreg:$0x3] =	wrdreg s24  }
0xb6: {  	[dreg:$0x4] =	wrdreg s15  }
0xb7: {  	[dreg:$0x5] =	wrdreg s17  }
0xb8: {  	[dreg:$0x6] =	wrdreg s18  }
0xb9: {  	[dreg:$0x7] =	wrdreg $0x9  }
0xba: {  	_ =	task.clear_ibuf [dreg:s10], $0x8FFFF;
	_ =	strace $0x90000046  }
0xbb: {  	s29 =	simm.s32 $0x9;
	_ =	strace $0x80000048  }
0xbc: {  	_ =	swait.ge [sflag:s29], $0x1  }
0xbd: {  	[sflag:s29] =	ssyncadd.s32 $0xFFFFFFFF  }
0xbe: {  	_ =	strace $0x90000048  }
0xbf: {  	_ =	sfence  }
0xc0: {  	s30 =	sld [smem:$0x0];
	_ =	sdelay $0x2  }
0xc1: {  	s31 =	sshll.u32 s1, $0xD;
	s1 =	sshrl.u32 s1, $0x2  }
0xc2: {  	s3 =	sand.u32 $0x4000, s31;
	s1 =	sadd.s32 s1, s30  }
0xc3: {  	s0 =	sor.u32 s3, s0;
	s1 =	sshll.u32 s1, $0x11  }
0xc4: {  	s0 =	sor.u32 s1, s0  }
0xc5: {  	s0 =	sadd.s32 $0x8F2B, s0  }
0xc6: {  	[sflag:s0] =	ssyncadd.remote.s32 $0x1  }
0xc7: {  	_ =	sfence.sel $0xFFFF  }
0xc8: {  	[dreg:$0x0] =	wrdreg $0xFFFFFFFF;
	(pc) =	sbr.abs _section_cstart, $3  }
0xc9: {  	[dreg:$0x1] =	wrdreg $0xFFFFFFFF  }
0xca: {  	_ =	task.clear_ibuf [dreg:s10], $0x2FFFF;
	_ =	strace $0x9FFFFFFF  }
0xcb: {  	(tm) =	ssettm $0x7FFFFFFF  }
tec
execute0_lowered:
.L_overlay_start_1:
0x0: {  	(tag) =	ssettag $0x1  }
0x1: {  	s1 =	rddreg [dreg:$0x0]  }
0x2: {  	s0 =	rddreg [dreg:$0x1]  }
0x3: {  	s3 =	rddreg [dreg:$0x3]  }
0x4: {  	s4 =	rddreg [dreg:$0x4];
	s5 =	simm.s32 $0x0  }
0x5: {  	[smem:$0x7FF] =	sst s5;
	s6 =	sadd.s32 $0x3C00, s0  }
0x6: {  	s12 =	sadd.s32 $0x4000, s0;
	_ =	strace $0x80000047;
	[dreg:$0x6] =	wrdreg s6  }
0x7: {  	s13 =	sadd.s32 $0x3A00, s0;
	[dreg:$0x7] =	wrdreg s12  }
0x8: {  	s2 =	srdreg.scid;
	s16 =	sadd.s32 $0x3C56, s0;
	[dreg:$0x8] =	wrdreg s13  }
0x9: {  	s8 =	stileid.u32;
	s17 =	sadd.s32 $0x3CAC, s0;
	[dreg:$0x9] =	wrdreg s16  }
0xa: {  	s29 =	simm.s32 $0x2280;
	s18 =	sadd.s32 $0x3D02, s0;
	[dreg:$0xa] =	wrdreg s17  }
0xb: {  	s30 =	simm.s32 $0x2300;
	s19 =	sadd.s32 $0x3D44, s0;
	[dreg:$0xb] =	wrdreg s18  }
0xc: {  	s31 =	simm.s32 $0x2380;
	s20 =	sadd.s32 $0x3D86, s0;
	[dreg:$0xc] =	wrdreg s19  }
0xd: {  	s28 =	simm.s32 $0x6900;
	s21 =	sadd.s32 $0x3DC8, s0;
	[dreg:$0xd] =	wrdreg s20  }
0xe: {  	s2 =	sand.u32 $0x1, s2;
	s22 =	sadd.s32 $0x3E0A, s0;
	[dreg:$0xe] =	wrdreg s21  }
0xf: {  	s10 =	sadd.s32 $0x4200, s0;
	s23 =	sadd.s32 $0x3E4C, s0;
	[dreg:$0xf] =	wrdreg s22  }
0x10: {  	s15 =	sshll.u32 s8, $0x8;
	s24 =	sadd.s32 $0x3E8E, s0;
	[dreg:$0x10] =	wrdreg s23  }
0x11: {  	s25 =	sadd.s32 $0x4042, s0;
	s0 =	sadd.s32 $0x4098, s0;
	[dreg:$0x11] =	wrdreg s24  }
0x12: {  	s8 =	simm.s32 $0x0;
	s14 =	ssub.s32 $0x2, s2;
	[dreg:$0x12] =	wrdreg s25  }
.Ltmp0:
0x13: {  	s2 =	sshll.u32 s2, $0x7;
	[dreg:$0x13] =	wrdreg s0;
	(pc) =	sbr.rel .LBB2_1-.Ltmp0, $4  }
0x14: {  	s24 =	simm.s32 $0x1;
	s0 =	simm.s32 $0x8C80;
	s7 =	sshrl.u32 s14, $0x1  }
0x15: {  	s25 =	simm.s32 $0x8A00;
	s13 =	simm.s32 $0x0;
	s6 =	ssub.s32 s14, s7  }
0x16: {  	s11 =	sor.u32 s2, s15;
	s2 =	simm.s32 $0x6600;
	s26 =	smax.u32 s6, $0x1  }
0x17: {  	v0 =	vimm.s32 $0x1F;
	v1 =	vimm.f32 $0.0e+00;
	v2 =	vimm.s32 $0x0;
	s7 =	simm.s32 $0x6380;
	[dreg:$0x14] =	wrdreg s26;
	s26 =	simm.s32 $0x4380  }
.LBB2_17:
0x18: {  	s8 =	rddreg [dreg:$0x15]  }
0x19: {  	s6 =	rddreg [dreg:$0x14];
	s8 =	sadd.s32 $0x1, s8  }
0x1a: {  	p0 =	sne.s32 s8, s6  }
.Ltmp1:
0x1b: {  	_ = 	snop;
	(pc) =	sbr.rel @!p0 .LBB2_18-.Ltmp1, $1  }
0x1c: {  	_ =	sdelay $0x3  }
.LBB2_1:
0x1d: {  	[dreg:$0x15] =	wrdreg s8  }
0x1e: {  	s6 =	rddreg [dreg:$0x6]  }
0x1f: {  	[tilespmem:s5], [sflag:$0x1] =	stream.linear.gather [hbm4b:s6+s5], $0x2B0, $0x38;
	[tilespmem:$0x8D00] =	vst v63  }
0x20: {  	_ =	swait.ge [sflag:s24], $0x2B0  }
0x21: {  	[sflag:s24] =	ssyncset.done $0x0  }
0x22: {  	s23 =	simm.s32 $0x300;
	s22 =	rddreg [dreg:$0x9];
	[sflag:s24] =	ssyncadd.s32 $0xFFFFFD50  }
0x23: {  	[tilespmem:s23], [sflag:$0x1] =	stream.linear.gather [hbm4b:s22+s5], $0x2B0, $0x38;
	[tilespmem:$0x8D00] =	vst v63  }
0x24: {  	_ =	swait.ge [sflag:s24], $0x2B0  }
0x25: {  	[sflag:s24] =	ssyncset.done $0x0  }
0x26: {  	s12 =	simm.s32 $0x600;
	s9 =	rddreg [dreg:$0xa];
	[sflag:s24] =	ssyncadd.s32 $0xFFFFFD50  }
0x27: {  	[tilespmem:s12], [sflag:$0x1] =	stream.linear.gather [hbm4b:s9+s5], $0x2B0, $0x38;
	[tilespmem:$0x8D00] =	vst v63  }
0x28: {  	_ =	swait.ge [sflag:s24], $0x2B0  }
0x29: {  	[sflag:s24] =	ssyncset.done $0x0  }
0x2a: {  	s15 =	simm.s32 $0x900;
	s14 =	rddreg [dreg:$0xb];
	[sflag:s24] =	ssyncadd.s32 $0xFFFFFD50  }
0x2b: {  	[tilespmem:s15], [sflag:$0x1] =	stream.linear.gather [hbm4b:s14+s5], $0x210, $0x38;
	[tilespmem:$0x8D00] =	vst v63  }
0x2c: {  	_ =	swait.ge [sflag:s24], $0x210  }
0x2d: {  	[sflag:s24] =	ssyncset.done $0x0  }
0x2e: {  	s17 =	simm.s32 $0xB80;
	s16 =	rddreg [dreg:$0xc];
	[sflag:s24] =	ssyncadd.s32 $0xFFFFFDF0  }
0x2f: {  	[tilespmem:s17], [sflag:$0x1] =	stream.linear.gather [hbm4b:s16+s5], $0x210, $0x38;
	[tilespmem:$0x8D00] =	vst v63  }
0x30: {  	_ =	swait.ge [sflag:s24], $0x210  }
0x31: {  	[sflag:s24] =	ssyncset.done $0x0  }
0x32: {  	s19 =	simm.s32 $0xE00;
	s18 =	rddreg [dreg:$0xd];
	[sflag:s24] =	ssyncadd.s32 $0xFFFFFDF0  }
0x33: {  	[tilespmem:s19], [sflag:$0x1] =	stream.linear.gather [hbm4b:s18+s5], $0x210, $0x38;
	[tilespmem:$0x8D00] =	vst v63  }
0x34: {  	_ =	swait.ge [sflag:s24], $0x210  }
0x35: {  	[sflag:s24] =	ssyncset.done $0x0  }
0x36: {  	s21 =	simm.s32 $0x1080;
	s20 =	rddreg [dreg:$0xe];
	[sflag:s24] =	ssyncadd.s32 $0xFFFFFDF0  }
0x37: {  	[tilespmem:s21], [sflag:$0x1] =	stream.linear.gather [hbm4b:s20+s5], $0x210, $0x38;
	[tilespmem:$0x8D00] =	vst v63  }
0x38: {  	_ =	swait.ge [sflag:s24], $0x210  }
0x39: {  	[sflag:s24] =	ssyncset.done $0x0  }
0x3a: {  	s23 =	simm.s32 $0x1300;
	s22 =	rddreg [dreg:$0xf];
	[sflag:s24] =	ssyncadd.s32 $0xFFFFFDF0  }
0x3b: {  	[tilespmem:s23], [sflag:$0x1] =	stream.linear.gather [hbm4b:s22+s5], $0x210, $0x38;
	[tilespmem:$0x8D00] =	vst v63  }
0x3c: {  	_ =	swait.ge [sflag:s24], $0x210  }
0x3d: {  	[sflag:s24] =	ssyncset.done $0x0  }
0x3e: {  	s12 =	simm.s32 $0x1580;
	s9 =	rddreg [dreg:$0x10];
	[sflag:s24] =	ssyncadd.s32 $0xFFFFFDF0  }
0x3f: {  	[tilespmem:s12], [sflag:$0x1] =	stream.linear.gather [hbm4b:s9+s5], $0x210, $0x38;
	[tilespmem:$0x8D00] =	vst v63  }
0x40: {  	_ =	swait.ge [sflag:s24], $0x210  }
0x41: {  	[sflag:s24] =	ssyncset.done $0x0  }
0x42: {  	s15 =	simm.s32 $0x1800;
	s14 =	rddreg [dreg:$0x11];
	[sflag:s24] =	ssyncadd.s32 $0xFFFFFDF0  }
0x43: {  	[tilespmem:s15], [sflag:$0x1] =	stream.linear.gather [hbm4b:s14+s5], $0x210, $0x38;
	[tilespmem:$0x8D00] =	vst v63  }
0x44: {  	_ =	swait.ge [sflag:s24], $0x210  }
0x45: {  	[sflag:s24] =	ssyncset.done $0x0  }
0x46: {  	s17 =	simm.s32 $0x1A80;
	s16 =	rddreg [dreg:$0x7];
	[sflag:s24] =	ssyncadd.s32 $0xFFFFFDF0  }
0x47: {  	[tilespmem:s17], [sflag:$0x1] =	stream.linear.gather [hbm4b:s16+s5], $0x210, $0x38;
	[tilespmem:$0x8D00] =	vst v63  }
0x48: {  	_ =	swait.ge [sflag:s24], $0x210  }
0x49: {  	[sflag:s24] =	ssyncset.done $0x0  }
0x4a: {  	s19 =	simm.s32 $0x1D00;
	s18 =	rddreg [dreg:$0x12];
	[sflag:s24] =	ssyncadd.s32 $0xFFFFFDF0  }
0x4b: {  	[tilespmem:s19], [sflag:$0x1] =	stream.linear.gather [hbm4b:s18+s5], $0x2B0, $0x38;
	[tilespmem:$0x8D00] =	vst v63  }
0x4c: {  	_ =	swait.ge [sflag:s24], $0x2B0  }
0x4d: {  	[sflag:s24] =	ssyncset.done $0x0  }
0x4e: {  	s21 =	simm.s32 $0x2000;
	s20 =	rddreg [dreg:$0x13];
	[sflag:s24] =	ssyncadd.s32 $0xFFFFFD50  }
0x4f: {  	[tilespmem:s21], [sflag:$0x1] =	stream.linear.gather [hbm4b:s20+s5], $0x210, $0x38;
	[tilespmem:$0x8D00] =	vst v63  }
0x50: {  	_ =	swait.ge [sflag:s24], $0x210  }
0x51: {  	[sflag:s24] =	ssyncset.done $0x0  }
0x52: {  	s22 =	rddreg [dreg:$0x8];
	[sflag:s24] =	ssyncadd.s32 $0xFFFFFDF0  }
0x53: {  	[tilespmem:s29], [sflag:$0x1] =	stream.linear.gather [hbm4b:s22+s5], $0x80, $0x38;
	[tilespmem:$0x8D00] =	vst v63  }
0x54: {  	_ =	swait.ge [sflag:s24], $0x80  }
0x55: {  	[sflag:s24] =	ssyncset.done $0x0  }
0x56: {  	[sflag:s24] =	ssyncadd.s32 $0xFFFFFF80  }
0x57: {  	s23 =	rddreg [dreg:$0x2]  }
0x58: {  	[tilespmem:s30], [sflag:$0x1] =	stream.linear.gather [hbm4b:s23+s5], $0x80, $0x38;
	[tilespmem:$0x8D00] =	vst v63  }
.Ltmp2:
0x59: {  	_ = 	snop;
	(pc) =	sbr.rel .LBB2_2-.Ltmp2, $4  }
0x5a: {  	_ =	swait.ge [sflag:s24], $0x80  }
0x5b: {  	[sflag:s24] =	ssyncset.done $0x0  }
0x5c: {  	[sflag:s24] =	ssyncadd.s32 $0xFFFFFF80  }
0x5d: {  	s8 =	simm.s32 $0x0;
	v3 =	vld.idx.msk [tilespmem:v0+s29+$0x0], $0xffff;
	[tilespmem:$0x6580] =	vst v1  }
.LBB2_16:
0x5e: {  	s6 =	sadd.s32 s10, s12  }
0x5f: {  	[hbm4b:s6+s5] =	stream.linear.scatter [tilespmem:s26], [sflag:$0x1], $0x2000, $0x38;
	[tilespmem:$0x8D00] =	vst v63  }
0x60: {  	s22 =	smul.u32 $0x42, s9;
	_ =	swait.ge [sflag:s24], $0x2000  }
0x61: {  	[sflag:s24] =	ssyncset.done $0x0  }
0x62: {  	s6 =	sadd.s32 s3, s22;
	[sflag:s24] =	ssyncadd.s32 $0xFFFFE000  }
0x63: {  	[hbm4b:s6+s5] =	stream.linear.scatter [tilespmem:s28], [sflag:$0x1], $0x2100, $0x38;
	[tilespmem:$0x8D00] =	vst v63  }
0x64: {  	s8 =	sadd.s32 $0x1, s8;
	_ =	swait.ge [sflag:s24], $0x2100  }
0x65: {  	s23 =	sshrl.u32 s9, $0x3;
	p0 =	sne.s32 s8, $0x8;
	[sflag:s24] =	ssyncset.done $0x0  }
.Ltmp3:
0x66: {  	s6 =	sadd.s32 s4, s23;
	[sflag:s24] =	ssyncadd.s32 $0xFFFFDF00;
	(pc) =	sbr.rel @!p0 .LBB2_17-.Ltmp3, $4  }
0x67: {  	[hbm4b:s6+s5] =	stream.linear.scatter [tilespmem:s0], [sflag:$0x1], $0x10, $0x38;
	[tilespmem:$0x8D00] =	vst v63  }
0x68: {  	_ =	swait.ge [sflag:s24], $0x10  }
0x69: {  	[sflag:s24] =	ssyncset.done $0x0  }
0x6a: {  	[sflag:s24] =	ssyncadd.s32 $0xFFFFFFF0  }
.LBB2_2:
0x6b: {  	s9 =	sshll.u32 s8, $0x4  }
0x6c: {  	s9 =	sadd.s32 s11, s9  }
0x6d: {  	s12 =	sshll.u32 s9, $0x6  }
0x6e: {  	s14 =	sadd.s32 s1, s12  }
0x6f: {  	[tilespmem:s31], [sflag:$0x1] =	stream.linear.gather [hbm4b:s14+s13], $0x2000, $0x38;
	[tilespmem:$0x8D00] =	vst v63  }
0x70: {  	_ =	swait.ge [sflag:s24], $0x2000  }
0x71: {  	[sflag:s24] =	ssyncset.done $0x0  }
0x72: {  	s15 =	simm.s32 $0x0;
	s14 =	simm.s32 $0x6900;
	[sflag:s24] =	ssyncadd.s32 $0xFFFFE000  }
.LBB2_3:
0x73: {  	s16 =	sshll.u32 s15, $0xB  }
0x74: {  	s16 =	sshrl.u32 s16, $0x2  }
0x75: {  	s18 =	sand.u32 $0x180, s13;
	s17 =	sadd.s32 $0x2380, s16  }
0x76: {  	s19 =	sand.u32 $0x70, s13;
	s18 =	sadd.s32 s18, s17  }
0x77: {  	s19 =	sadd.s32 s19, s18  }
0x78: {  	v5 =	vld [tilespmem:s19+$0x0]  }
0x79: {  	v4 =	vimm.f32 $0.0e+00;
	s18 =	simm.s32 $0x10  }
.LBB2_4:
0x7a: {  	s19 =	sand.u32 $0x180, s18;
	p0 =	sne.s32 s18, $0x1F0  }
.Ltmp4:
0x7b: {  	s20 =	smov.u32 s18;
	s18 =	sadd.s32 $0x10, s18;
	(pc) =	sbr.rel @p0 .LBB2_4-.Ltmp4, $4  }
0x7c: {  	s20 =	sand.u32 $0x70, s20;
	s19 =	sadd.s32 s19, s17  }
0x7d: {  	s19 =	sadd.s32 s20, s19;
	v6 =	vmul.f32 v5, v5  }
0x7e: {  	v5 =	vld [tilespmem:s19+$0x0]  }
0x7f: {  	v4 =	vadd.f32 v6, v4  }
0x80: {  	_ =	sdelay $0x2  }
0x81: {  	v5 =	vmul.f32 v5, v5;
	_ =	sdelay $0x1  }
0x82: {  	v4 =	vadd.f32 v5, v4;
	_ =	sdelay $0x1  }
0x83: {  	(xrf2) =	vadd.scan.msk.f32 $0xffff, v4;
	_ =	sdelay $0x9  }
0x84: {  	v4, _, _ =	vpop (xrf2)  }
0x85: {  	v4 =	vmax.f32 v4, $1.000000020e-16  }
0x86: {  	v4 =	vbroadcast v4, $0xF;
	_ =	sdelay $0x1  }
0x87: {  	v5 =	vshrl.u32 v4, $0x1;
	v6 =	vmul.f32 $-5.000000000e-01, v4  }
0x88: {  	v5 =	vsub.s32 $0x5F3759DF, v5  }
0x89: {  	v7 =	vmul.f32 v5, v6;
	_ =	sdelay $0x1  }
0x8a: {  	v7 =	vmul.f32 v5, v7;
	_ =	sdelay $0x1  }
0x8b: {  	v7 =	vadd.f32 $1.500000000e+00, v7;
	_ =	sdelay $0x1  }
0x8c: {  	v5 =	vmul.f32 v5, v7;
	_ =	sdelay $0x1  }
0x8d: {  	v7 =	vmul.f32 v5, v6;
	_ =	sdelay $0x1  }
0x8e: {  	v7 =	vmul.f32 v7, v5;
	_ =	sdelay $0x1  }
0x8f: {  	v7 =	vadd.f32 $1.500000000e+00, v7;
	_ =	sdelay $0x1  }
0x90: {  	v5 =	vmul.f32 v7, v5;
	_ =	sdelay $0x1  }
0x91: {  	v6 =	vmul.f32 v5, v6;
	_ =	sdelay $0x1  }
0x92: {  	v6 =	vmul.f32 v6, v5;
	_ =	sdelay $0x1  }
0x93: {  	v6 =	vadd.f32 $1.500000000e+00, v6;
	_ =	sdelay $0x1  }
0x94: {  	v5 =	vmul.f32 v6, v5;
	_ =	sdelay $0x1  }
0x95: {  	v4 =	vmul.f32 v5, v4  }
0x96: {  	v5 =	vmov s15  }
0x97: {  	(erf) = vrcp.f32 v4  }
0x98: {  	s18 =	simm.s32 $0x0  }
0x99: {  	s19 =	sand.u32 $0x180, s18  }
0x9a: {  	s18 =	sand.u32 $0x70, s18;
	s19 =	sadd.s32 s19, s17  }
0x9b: {  	s18 =	sadd.s32 s18, s19;
	[tilespmem:v5+s0+$0x0] =	vst.idx.msk $0x1, v4  }
0x9c: {  	v6 =	vld [tilespmem:s18+$0x0];
	_ =	sdelay $0x3  }
0x9d: {  	v5 =	vpop (erf)  }
0x9e: {  	v6 =	vmul.f32 v6, v5;
	_ =	sdelay $0x1  }
0x9f: {  	v7 =	vshrl.u32 v6, $0x10  }
0xa0: {  	v7 =	vand.u32 $0x1, v7  }
0xa1: {  	s20 =	simm.s32 $0x10;
	v6 =	vadd.s32 v7, v6  }
0xa2: {  	s21 =	sand.u32 $0x180, s20;
	s19 =	simm.s32 $0x20;
	s18 =	simm.s32 $0x6380;
	v6 =	vadd.s32 $0x7FFF, v6  }
.LBB2_6:
0xa3: {  	p0 =	sne.s32 s19, $0x1F0;
	s20 =	sand.u32 $0x70, s20;
	s21 =	sadd.s32 s21, s17;
	v6 =	vand.u32 $0xFFFF0000, v6  }
0xa4: {  	s21 =	sadd.s32 s20, s21;
	[tilespmem:s18+$0x0] =	vst v6;
	s20 =	smov.u32 s19  }
0xa5: {  	v6 =	vld [tilespmem:s21+$0x0];
	_ =	sdelay $0x4  }
0xa6: {  	v6 =	vmul.f32 v6, v5  }
.Ltmp5:
0xa7: {  	(pc) =	sbr.rel @p0 .LBB2_6-.Ltmp5, $4  }
0xa8: {  	v7 =	vshrl.u32 v6, $0x10  }
0xa9: {  	v7 =	vand.u32 $0x1, v7  }
0xaa: {  	v6 =	vadd.s32 v7, v6  }
0xab: {  	s19 =	sadd.s32 $0x10, s19;
	s18 =	sadd.s32 $0x10, s18;
	s21 =	sand.u32 $0x180, s20;
	v6 =	vadd.s32 $0x7FFF, v6  }
0xac: {  	s19 =	sand.u32 $0x70, s20;
	s17 =	sadd.s32 s21, s17;
	v6 =	vand.u32 $0xFFFF0000, v6  }
0xad: {  	s17 =	sadd.s32 s19, s17;
	[tilespmem:s18+$0x0] =	vst v6  }
0xae: {  	v6 =	vld [tilespmem:s17+$0x0];
	_ =	sdelay $0x4  }
0xaf: {  	v5 =	vmul.f32 v6, v5;
	_ =	sdelay $0x1  }
0xb0: {  	p1 =	por $0x0, $0x0;
	v6 =	vshrl.u32 v5, $0x10  }
.Ltmp6:
0xb1: {  	v6 =	vand.u32 $0x1, v6;
	(pc) =	sbr.rel @p1 .LBB2_8-.Ltmp6, $4  }
0xb2: {  	v5 =	vadd.s32 v6, v5  }
0xb3: {  	v5 =	vadd.s32 $0x7FFF, v5  }
0xb4: {  	s23 =	sadd.s32 $0x10, s18;
	v5 =	vand.u32 $0xFFFF0000, v5  }
0xb5: {  	p0 =	por $0x0, $0x0;
	s17 =	simm.s32 $0x0;
	[tilespmem:s23+$0x0] =	vst v5  }
0xb6: {  	v5 =	vld [tilespmem:s17+$0x1D00];
	_ =	sdelay $0x4  }
0xb7: {  	v6 =	vadd.s32 $0x1, v5;
	_ =	sdelay $0x1  }
0xb8: {  	v8 =	vld [tilespmem:s17+$0x0];
	v7 =	vadd.s32 $0x2, v5  }
0xb9: {  	v9 =	vld [tilespmem:s17+$0x300]  }
0xba: {  	v5 =	vld.idx.msk [tilespmem:v5+s7+$0x0], $0xffff  }
0xbb: {  	v6 =	vld.idx.msk [tilespmem:v6+s7+$0x0], $0xffff  }
0xbc: {  	v10 =	vld [tilespmem:s17+$0x600]  }
0xbd: {  	p1 =	por $0x0, $0x0;
	v7 =	vld.idx.msk [tilespmem:v7+s7+$0x0], $0xffff  }
.Ltmp7:
0xbe: {  	_ = 	snop;
	(pc) =	sbr.rel @p1 .LBB2_11-.Ltmp7, $3  }
0xbf: {  	_ = 	snop  }
0xc0: {  	v5 =	vmul.f32 v8, v5;
	v6 =	vmul.f32 v9, v6;
	_ =	sdelay $0x1  }
0xc1: {  	s18 =	simm.s32 $0x10;
	s19 =	simm.s32 $0x80;
	p0 =	por $0x1, $0x1;
	v5 =	vadd.f32 v6, v5;
	v6 =	vmul.f32 v10, v7  }
.LBB2_10:
0xc2: {  	p1 =	seq.s32 s19, $0xA80;
	v7 =	vld [tilespmem:s18+$0x1D00]  }
0xc3: {  	v5 =	vadd.f32 v6, v5;
	_ =	sdelay $0x1  }
0xc4: {  	v6 =	vshrl.u32 v5, $0x10  }
0xc5: {  	v6 =	vand.u32 $0x1, v6  }
0xc6: {  	v8 =	vadd.s32 $0x1, v7;
	v5 =	vadd.s32 v6, v5  }
0xc7: {  	v5 =	vadd.s32 $0x7FFF, v5  }
0xc8: {  	v6 =	vadd.s32 $0x2, v7;
	v5 =	vand.u32 $0xFFFF0000, v5  }
0xc9: {  	v9 =	vld [tilespmem:s18+$0x0];
	[tilespmem:s17+$0x6600] =	vst v5;
	s17 =	smov.u32 s18  }
0xca: {  	v5 =	vld.idx.msk [tilespmem:v7+s7+$0x0], $0xffff  }
0xcb: {  	v7 =	vld.idx.msk [tilespmem:v8+s7+$0x0], $0xffff  }
0xcc: {  	v8 =	vld [tilespmem:s17+$0x300]  }
0xcd: {  	v6 =	vld.idx.msk [tilespmem:v6+s7+$0x0], $0xffff  }
0xce: {  	v10 =	vld [tilespmem:s17+$0x600]  }
.Ltmp8:
0xcf: {  	(pc) =	sbr.rel @!p1 .LBB2_10-.Ltmp8, $3  }
0xd0: {  	_ = 	snop  }
0xd1: {  	v5 =	vmul.f32 v9, v5;
	v7 =	vmul.f32 v8, v7;
	_ =	sdelay $0x1  }
0xd2: {  	s18 =	sshra.s32 s19, $0x2;
	s19 =	sadd.s32 $0x40, s19;
	v5 =	vadd.f32 v7, v5;
	v6 =	vmul.f32 v10, v6  }
.LBB2_11:
0xd3: {  	_ = 	snop  }
0xd4: {  	v7 =	vld [tilespmem:s18+$0x1D00];
	v5 =	vadd.f32 @p0 v6, v5;
	_ =	sdelay $0x1  }
0xd5: {  	v6 =	vshrl.u32 @p0 v5, $0x10  }
0xd6: {  	v6 =	vand.u32 @p0 $0x1, v6  }
0xd7: {  	v5 =	vadd.s32 @p0 v6, v5  }
0xd8: {  	v8 =	vadd.s32 $0x1, v7;
	v5 =	vadd.s32 @p0 $0x7FFF, v5  }
0xd9: {  	v5 =	vand.u32 @p0 $0xFFFF0000, v5  }
0xda: {  	v9 =	vld [tilespmem:s18+$0x0];
	v6 =	vadd.s32 $0x2, v7;
	[tilespmem:s17+$0x6600] =	vst @p0 v5  }
0xdb: {  	v5 =	vld.idx.msk [tilespmem:v7+s7+$0x0], $0xffff  }
0xdc: {  	v63 =	vld [tilespmem:s18+$0x300]  }
0xdd: {  	v7 =	vld.idx.msk [tilespmem:v8+s7+$0x0], $0xffff  }
0xde: {  	v10 =	vld [tilespmem:s18+$0x600]  }
0xdf: {  	v6 =	vld.idx.msk [tilespmem:v6+s7+$0x0], $0xffff;
	_ =	sdelay $0x2  }
0xe0: {  	v5 =	vmul.f32 v9, v5;
	v7 =	vmul.f32 v63, v7;
	_ =	sdelay $0x1  }
0xe1: {  	v6 =	vmul.f32 v10, v6;
	v5 =	vadd.f32 v7, v5;
	_ =	sdelay $0x1  }
0xe2: {  	v5 =	vadd.f32 v6, v5;
	_ =	sdelay $0x1  }
0xe3: {  	v6 =	vshrl.u32 v5, $0x10  }
0xe4: {  	v6 =	vand.u32 $0x1, v6  }
0xe5: {  	v5 =	vadd.s32 v6, v5  }
0xe6: {  	v5 =	vadd.s32 $0x7FFF, v5  }
0xe7: {  	v5 =	vand.u32 $0xFFFF0000, v5  }
0xe8: {  	s17 =	simm.s32 $0x0;
	[tilespmem:s18+$0x6600] =	vst v5;
	v5 =	vmov s14  }
.LBB2_12:
0xe9: {  	s18 =	sshra.s32 s17, $0x2  }
0xea: {  	v6 =	vld [tilespmem:s18+$0x2000];
	_ =	sdelay $0x4  }
0xeb: {  	v7 =	vadd.s32 $0x1, v6;
	_ =	sdelay $0x1  }
0xec: {  	v10 =	vld [tilespmem:s18+$0x900];
	v8 =	vadd.s32 $0x2, v6  }
0xed: {  	v11 =	vld [tilespmem:s18+$0xB80]  }
0xee: {  	v9 =	vld.idx.msk [tilespmem:v6+s2+$0x0], $0xffff;
	v6 =	vadd.s32 $0x3, v6  }
0xef: {  	v7 =	vld.idx.msk [tilespmem:v7+s2+$0x0], $0xffff  }
0xf0: {  	v12 =	vld [tilespmem:s18+$0xE00]  }
0xf1: {  	v8 =	vld.idx.msk [tilespmem:v8+s2+$0x0], $0xffff  }
0xf2: {  	v13 =	vld [tilespmem:s18+$0x1080]  }
0xf3: {  	v6 =	vld.idx.msk [tilespmem:v6+s2+$0x0], $0xffff  }
0xf4: {  	v9 =	vmul.f32 v10, v9;
	v7 =	vmul.f32 v11, v7;
	_ =	sdelay $0x1  }
0xf5: {  	v8 =	vmul.f32 v12, v8;
	v7 =	vadd.f32 v7, v9;
	_ =	sdelay $0x1  }
0xf6: {  	v6 =	vmul.f32 v13, v6;
	v7 =	vadd.f32 v8, v7;
	_ =	sdelay $0x1  }
0xf7: {  	v6 =	vadd.f32 v6, v7;
	_ =	sdelay $0x1  }
0xf8: {  	vm0 =	vlt.f32 v3, v6  }
0xf9: {  	v7 =	vsel vm0, $0x20, v2  }
0xfa: {  	v63 =	vor.u32 $0xF, v7;
	_ =	sdelay $0x4  }
0xfb: {  	v8 =	vld.idx.msk [tilespmem:v63+s29+$0x0], $0xffff;
	_ =	sdelay $0x4  }
0xfc: {  	vm11 =	vlt.f32 v8, v6  }
0xfd: {  	v8 =	vsel vm11, $0x10, v2  }
0xfe: {  	v7 =	vor.u32 v8, v7  }
0xff: {  	v8 =	vor.u32 $0x7, v7;
	_ =	sdelay $0x4  }
0x100: {  	v8 =	vld.idx.msk [tilespmem:v8+s29+$0x0], $0xffff;
	_ =	sdelay $0x4  }
0x101: {  	vm12 =	vlt.f32 v8, v6  }
0x102: {  	v8 =	vsel vm12, $0x8, v2  }
0x103: {  	v7 =	vor.u32 v8, v7  }
0x104: {  	v8 =	vor.u32 $0x3, v7;
	_ =	sdelay $0x4  }
0x105: {  	v8 =	vld.idx.msk [tilespmem:v8+s29+$0x0], $0xffff;
	_ =	sdelay $0x4  }
0x106: {  	vm13 =	vlt.f32 v8, v6  }
0x107: {  	v8 =	vsel vm13, $0x4, v2  }
0x108: {  	v7 =	vor.u32 v8, v7  }
0x109: {  	v8 =	vor.u32 $0x1, v7;
	_ =	sdelay $0x4  }
0x10a: {  	v8 =	vld.idx.msk [tilespmem:v8+s29+$0x0], $0xffff;
	_ =	sdelay $0x4  }
0x10b: {  	vm14 =	vlt.f32 v8, v6  }
0x10c: {  	v8 =	vsel vm14, $0x2, v2  }
0x10d: {  	v7 =	vor.u32 v8, v7;
	_ =	sdelay $0x4  }
0x10e: {  	v8 =	vld.idx.msk [tilespmem:v7+s29+$0x0], $0xffff;
	_ =	sdelay $0x4  }
0x10f: {  	vm15 =	vlt.f32 v8, v6  }
0x110: {  	v6 =	vsel vm15, $0x1, v2  }
0x111: {  	v6 =	vor.u32 v6, v7;
	_ =	sdelay $0x3  }
0x112: {  	[tilespmem:v5+s18+$0x0 ss:$0x1] =	vst.idx.msk $0xffff, v6  }
0x113: {  	p0 =	seq.s32 s17, $0x800;
	v6 =	vld.idx.msk [tilespmem:v6+s30+$0x0], $0xffff  }
.Ltmp9:
0x114: {  	_ = 	snop;
	(pc) =	sbr.rel @!p0 .LBB2_12-.Ltmp9, $2  }
0x115: {  	_ =	sdelay $0x2  }
0x116: {  	s17 =	sadd.s32 $0x40, s17;
	[tilespmem:s18+$0x8A00] =	vst v6  }
0x117: {  	s21 =	simm.s32 $0x1A80  }
0x118: {  	v5 =	vld [tilespmem:s21+$0x0];
	_ =	sdelay $0x4  }
0x119: {  	v6 =	vadd.s32 $0x1, v5  }
0x11a: {  	s19 =	simm.s32 $0x1300  }
0x11b: {  	s18 =	simm.s32 $0x1580;
	v8 =	vld [tilespmem:s19+$0x0];
	v7 =	vadd.s32 $0x2, v5  }
0x11c: {  	v9 =	vld [tilespmem:s18+$0x0]  }
0x11d: {  	v5 =	vld.idx.msk [tilespmem:v5+s25+$0x0], $0xffff  }
0x11e: {  	s17 =	simm.s32 $0x1800;
	v6 =	vld.idx.msk [tilespmem:v6+s25+$0x0], $0xffff  }
0x11f: {  	v10 =	vld [tilespmem:s17+$0x0]  }
0x120: {  	v7 =	vld.idx.msk [tilespmem:v7+s25+$0x0], $0xffff;
	_ =	sdelay $0x2  }
0x121: {  	v5 =	vmul.f32 v8, v5;
	v6 =	vmul.f32 v9, v6;
	_ =	sdelay $0x1  }
0x122: {  	v5 =	vadd.f32 v6, v5;
	v6 =	vmul.f32 v10, v7;
	_ =	sdelay $0x1  }
0x123: {  	s20 =	simm.s32 $0x0;
	v5 =	vadd.f32 v6, v5  }
0x124: {  	s16 =	sadd.s32 $0x4380, s16;
	s23 =	sand.u32 $0x180, s20  }
0x125: {  	s20 =	sand.u32 $0x70, s20;
	s21 =	sadd.s32 s23, s16;
	v5 =	vmul.f32 v5, v4  }
0x126: {  	s20 =	sadd.s32 s20, s21  }
0x127: {  	s21 =	simm.s32 $0x1A90;
	[tilespmem:s20+$0x0] =	vst v5  }
0x128: {  	s22 =	simm.s32 $0x20;
	s20 =	simm.s32 $0x10;
	v5 =	vld [tilespmem:s21+$0x0]  }
.LBB2_14:
0x129: {  	p0 =	sne.s32 s22, $0x1F0;
	_ =	sdelay $0x3  }
0x12a: {  	v6 =	vadd.s32 $0x1, v5;
	_ =	sdelay $0x1  }
0x12b: {  	s19 =	sadd.s32 $0x10, s19;
	v7 =	vadd.s32 $0x2, v5  }
0x12c: {  	v8 =	vld [tilespmem:s19+$0x0]  }
0x12d: {  	v5 =	vld.idx.msk [tilespmem:v5+s25+$0x0], $0xffff  }
0x12e: {  	s18 =	sadd.s32 $0x10, s18;
	v6 =	vld.idx.msk [tilespmem:v6+s25+$0x0], $0xffff  }
0x12f: {  	v9 =	vld [tilespmem:s18+$0x0]  }
0x130: {  	s17 =	sadd.s32 $0x10, s17;
	v7 =	vld.idx.msk [tilespmem:v7+s25+$0x0], $0xffff  }
0x131: {  	v10 =	vld [tilespmem:s17+$0x0];
	_ =	sdelay $0x2  }
0x132: {  	v5 =	vmul.f32 v8, v5;
	v6 =	vmul.f32 v9, v6;
	_ =	sdelay $0x1  }
0x133: {  	v5 =	vadd.f32 v6, v5;
	v6 =	vmul.f32 v10, v7;
	_ =	sdelay $0x1  }
0x134: {  	v5 =	vadd.f32 v6, v5  }
.Ltmp10:
0x135: {  	s23 =	sand.u32 $0x180, s20;
	(pc) =	sbr.rel @p0 .LBB2_14-.Ltmp10, $4  }
0x136: {  	s6 =	sand.u32 $0x70, s20;
	s20 =	smov.u32 s22;
	s23 =	sadd.s32 s23, s16;
	v5 =	vmul.f32 v5, v4  }
0x137: {  	s6 =	sadd.s32 s6, s23  }
0x138: {  	s21 =	sadd.s32 $0x10, s21;
	[tilespmem:s6+$0x0] =	vst v5  }
0x139: {  	s22 =	sadd.s32 $0x10, s22;
	v5 =	vld [tilespmem:s21+$0x0]  }
0x13a: {  	_ =	sdelay $0x3  }
0x13b: {  	v6 =	vadd.s32 $0x1, v5  }
0x13c: {  	s6 =	sadd.s32 $0x10, s19  }
0x13d: {  	s19 =	sadd.s32 $0x10, s18;
	v8 =	vld [tilespmem:s6+$0x0];
	v7 =	vadd.s32 $0x2, v5  }
0x13e: {  	v9 =	vld [tilespmem:s19+$0x0]  }
0x13f: {  	v5 =	vld.idx.msk [tilespmem:v5+s25+$0x0], $0xffff  }
0x140: {  	s21 =	sadd.s32 $0x10, s17;
	v6 =	vld.idx.msk [tilespmem:v6+s25+$0x0], $0xffff  }
0x141: {  	v10 =	vld [tilespmem:s21+$0x0]  }
0x142: {  	v7 =	vld.idx.msk [tilespmem:v7+s25+$0x0], $0xffff;
	_ =	sdelay $0x2  }
0x143: {  	v5 =	vmul.f32 v8, v5;
	v6 =	vmul.f32 v9, v6;
	_ =	sdelay $0x1  }
0x144: {  	s15 =	sadd.s32 $0x1, s15;
	v63 =	vmul.f32 v10, v7;
	v5 =	vadd.f32 v6, v5  }
0x145: {  	p0 =	sne.s32 s15, $0x10  }
.Ltmp11:
0x146: {  	v5 =	vadd.f32 v63, v5;
	(pc) =	sbr.rel @p0 .LBB2_3-.Ltmp11, $4  }
.Ltmp12:
0x147: {  	s22 =	sand.u32 $0x180, s20;
	(pc) =	sbr.rel @!p0 .LBB2_16-.Ltmp12, $4  }
0x148: {  	s23 =	sand.u32 $0x70, s20;
	s6 =	sadd.s32 s22, s16;
	v4 =	vmul.f32 v5, v4  }
0x149: {  	s6 =	sadd.s32 s23, s6  }
0x14a: {  	s14 =	sadd.s32 $0x210, s14;
	[tilespmem:s6+$0x0] =	vst v4  }
0x14b: {  	_ = 	snop  }
.LBB2_8:
.Ltmp13:
0x14c: {  	(pc) =	sbr.rel .LBB2_11-.Ltmp13, $2  }
0x14d: {  	_ =	sdelay $0x2  }
0x14e: {  	s18 =	simm.s32 $0x0  }
.LBB2_18:
0x14f: {  	_ =	sfence.sel $0x180000  }
0x150: {  	[bflag:$0x0] =	sbarrier.arrive $0xFFFF  }
0x151: {  	_ =	strace $0x90000047  }
0x152: {  	s0 =	stileid.u32;
	[bflag:$0x2] =	sbarrier.arrive $0xFFFF  }
0x153: {  	p0 =	sne.s32 s0, $0x0;
	s0 =	rddreg [dreg:$0x5]  }
0x154: {  	s0 =	sadd.s32 @!p0 $0x100000, s0  }
0x155: {  	[sflag:s0] =	ssyncadd.tile.s32 @!p0 $0x1;
	_ =	shalt  }
.Lfunc_end2:
_tile_overlayer_lowered:
.L_overlay_start_2:
0x156: {  	(tag) =	ssettag $0x2  }
0x157: {  	s0 =	rddreg [dreg:$0x0];
	s2 =	stileid.u32  }
0x158: {  	s1 =	rddreg [dreg:$0x1];
	p0 =	sne.s32 s2, $0x0  }
0x159: {  	s3 =	rddreg [dreg:$0x2];
	[bflag:$0x3] =	sbarrier.arrive $0xFFFF;
	s2 =	simm.s32 @!p0 $0x1C01  }
0x15a: {  	[timem:s3], [sflag:s2] =	dma.local @!p0 [hbm:s0], s1  }
0x15b: {  	s0 =	simm.s32 @!p0 $0x1  }
0x15c: {  	_ =	swait.ge @!p0 [sflag:s0], s1  }
0x15d: {  	s1 =	ssub.s32 @!p0 $0x0, s1;
	[sflag:s0] =	ssyncset.done @!p0 $0x0  }
0x15e: {  	[sflag:s0] =	ssyncadd.s32 @!p0 s1  }
0x15f: {  	[bflag:$0x3] =	sbarrier.arrive $0xFFFF  }
0x160: {  	_ =	shalt  }

</sc_bundles>
